<compile_context>
chip_gen: v7x
topology: tpu7x:2x2x1
jax: 0.10.2.dev20260603
libtpu: 0.0.44.dev20260713+nightly
codegen_flags: <defaults>
</compile_context>

<pallas_src>
import functools

import jax
import jax.numpy as jnp
from jax import lax
from jax.experimental import pallas as pl
from jax.experimental.pallas import tpu as pltpu
from jax.experimental.pallas import tpu_sc as plsc

B, N, M, C = 4, 8192, 2048, 64
NS = 32
R2 = 0.4 * 0.4
BM = B * M
NW = 32
CPW = BM // NW
WPB = M // CPW
RPW = NS * CPW
KCH = RPW // 128
NH = 1
CH = BM // NH
CPW2 = CH // NW
WPB2 = M // CPW2
RPW2 = NS * CPW2
KCH2 = RPW2 // 128


def _sc_fused(xyz_t, new_t, feat_rows, half):
    mesh = plsc.VectorSubcoreMesh(core_axis_name="c", subcore_axis_name="s")

    @functools.partial(
        pl.kernel,
        out_type=(
            jax.ShapeDtypeStruct((NS * CH, C), jnp.float32),
            jax.ShapeDtypeStruct((NW, CPW2 * NS), jnp.float32),
            jax.ShapeDtypeStruct((NW, CPW2 * NS), jnp.float32),
            jax.ShapeDtypeStruct((NW, CPW2 * NS), jnp.float32),
        ),
        mesh=mesh,
        compiler_params=pltpu.CompilerParams(
            needs_layout_passes=False, use_tc_tiling_on_sc=False),
        scratch_types=[
            pltpu.VMEM((N,), jnp.float32),
            pltpu.VMEM((N,), jnp.float32),
            pltpu.VMEM((N,), jnp.float32),
            pltpu.VMEM((CPW2,), jnp.float32),
            pltpu.VMEM((CPW2,), jnp.float32),
            pltpu.VMEM((CPW2,), jnp.float32),
            pltpu.VMEM((NS * CPW2,), jnp.int32),
            pltpu.VMEM((CPW2 * NS,), jnp.float32),
            pltpu.VMEM((CPW2 * NS,), jnp.float32),
            pltpu.VMEM((CPW2 * NS,), jnp.float32),
            pltpu.VMEM((128, C), jnp.float32),
            pltpu.VMEM((128, C), jnp.float32),
            pltpu.SemaphoreType.DMA,
            pltpu.SemaphoreType.DMA,
        ],
    )
    def k(xyz_hbm, new_hbm, feat_hbm, gf_hbm, gxx_hbm, gxy_hbm, gxz_hbm,
          px_v, py_v, pz_v, cx_v, cy_v, cz_v, idx_v, gxx_v, gxy_v, gxz_v,
          rows_a, rows_b, sem_a, sem_b):
        wid = lax.axis_index("c") * 16 + lax.axis_index("s")
        gw = half * NW + wid
        b = gw // WPB2
        moff = (gw % WPB2) * CPW2
        pltpu.sync_copy(xyz_hbm.at[pl.ds((b * 3 + 0) * N, N)], px_v)
        pltpu.sync_copy(xyz_hbm.at[pl.ds((b * 3 + 1) * N, N)], py_v)
        pltpu.sync_copy(xyz_hbm.at[pl.ds((b * 3 + 2) * N, N)], pz_v)
        pltpu.sync_copy(new_hbm.at[pl.ds((b * 3 + 0) * M + moff, CPW2)], cx_v)
        pltpu.sync_copy(new_hbm.at[pl.ds((b * 3 + 1) * M + moff, CPW2)], cy_v)
        pltpu.sync_copy(new_hbm.at[pl.ds((b * 3 + 2) * M + moff, CPW2)], cz_v)

        lanes = lax.iota(jnp.int32, 16)
        zeros16 = jnp.zeros((16,), jnp.int32)
        boff = b * N

        def center_body(m, carry):
            mvec = jnp.full((16,), m, jnp.int32)
            mq = (m // 16) * 16
            ml = jnp.full((16,), lax.rem(m, 16), jnp.int32)
            cx = cx_v[pl.ds(mq, 16)].at[ml].get(mode="promise_in_bounds")
            cy = cy_v[pl.ds(mq, 16)].at[ml].get(mode="promise_in_bounds")
            cz = cz_v[pl.ds(mq, 16)].at[ml].get(mode="promise_in_bounds")

            def cond(st):
                return (st[0] < N // 16) & (st[1] < NS)

            def body(st):
                j, cnt = st
                base = j * 16
                px = px_v[pl.ds(base, 16)]
                py = py_v[pl.ds(base, 16)]
                pz = pz_v[pl.ds(base, 16)]
                dx = px - cx
                dy = py - cy
                dz = pz - cz
                sq = dx * dx + dy * dy + dz * dz
                msk = sq < R2
                pre = plsc.cumsum(msk.astype(jnp.int32))
                pos = cnt + pre - 1
                okm = msk & (pos < NS)
                jv = base + lanes + boff
                plsc.store_scatter(idx_v, [pos * CPW2 + mvec], jv, mask=okm)
                plsc.store_scatter(gxx_v, [mvec * NS + pos], dx, mask=okm)
                plsc.store_scatter(gxy_v, [mvec * NS + pos], dy, mask=okm)
                plsc.store_scatter(gxz_v, [mvec * NS + pos], dz, mask=okm)
                return j + 1, cnt + pre[15]

            _, cnt = lax.while_loop(cond, body,
                                    (jnp.int32(0), jnp.int32(0)))

            @pl.when(cnt < NS)
            def _fill():
                row = idx_v[pl.ds(m, 16)]
                fgi0 = row.at[zeros16].get(mode="promise_in_bounds")
                fgiv = jnp.where(cnt > 0, fgi0,
                                 jnp.full((16,), boff, jnp.int32))
                fl = fgiv - boff
                fx = plsc.load_gather(px_v, [fl]) - cx
                fy = plsc.load_gather(py_v, [fl]) - cy
                fz = plsc.load_gather(pz_v, [fl]) - cz
                for h in (0, 16):
                    lp = lanes + h
                    fm = lp >= cnt
                    plsc.store_scatter(idx_v, [lp * CPW2 + mvec], fgiv,
                                       mask=fm)
                    plsc.store_scatter(gxx_v, [mvec * NS + lp], fx, mask=fm)
                    plsc.store_scatter(gxy_v, [mvec * NS + lp], fy, mask=fm)
                    plsc.store_scatter(gxz_v, [mvec * NS + lp], fz, mask=fm)

            return carry

        lax.fori_loop(0, CPW2, center_body, 0)
        pltpu.sync_copy(gxx_v, gxx_hbm.at[wid])
        pltpu.sync_copy(gxy_v, gxy_hbm.at[wid])
        pltpu.sync_copy(gxz_v, gxz_hbm.at[wid])

        gbase = wid * RPW2
        pltpu.async_copy(feat_hbm.at[idx_v.at[pl.ds(0, 128)]], rows_a, sem_a)

        def gbody(j, _):
            even = lax.rem(j, 2) == 0

            @pl.when((j + 1) < KCH2)
            def _prefetch():
                nxt = idx_v.at[pl.ds((j + 1) * 128, 128)]

                @pl.when(even)
                def _():
                    pltpu.async_copy(feat_hbm.at[nxt], rows_b, sem_b)

                @pl.when(jnp.logical_not(even))
                def _():
                    pltpu.async_copy(feat_hbm.at[nxt], rows_a, sem_a)

            cur = idx_v.at[pl.ds(j * 128, 128)]

            @pl.when(even)
            def _drain_a():
                pltpu.make_async_copy(feat_hbm.at[cur], rows_a, sem_a).wait()
                pltpu.sync_copy(rows_a,
                                gf_hbm.at[pl.ds(gbase + j * 128, 128), :])

            @pl.when(jnp.logical_not(even))
            def _drain_b():
                pltpu.make_async_copy(feat_hbm.at[cur], rows_b, sem_b).wait()
                pltpu.sync_copy(rows_b,
                                gf_hbm.at[pl.ds(gbase + j * 128, 128), :])

            return 0

        lax.fori_loop(0, KCH2, gbody, 0)

    return k(xyz_t, new_t, feat_rows)


def _tc_mlp(gf2, gxx, gxy, gxz, W1, b1, W2, b2, W3, b3):
    W1xT = W1[:, :3].T
    W1fT = W1[:, 3:].T
    W2T = W2.T
    W3T = W3.T
    b1r = b1.reshape(1, 64)
    b2r = b2.reshape(1, 64)
    b3r = b3.reshape(1, 128)

    def body(gf_ref, gxx_ref, gxy_ref, gxz_ref, w1x_ref, w1f_ref, w2_ref,
             w3_ref, b1_ref, b2_ref, b3_ref, out_ref):
        gx = gxx_ref[...]
        gy = gxy_ref[...]
        gz = gxz_ref[...]
        sq = gx * gx + gy * gy + gz * gz
        dr = 1.0 / (jnp.sqrt(sq) + 1e-8)
        w = dr / jnp.sum(dr, axis=1, keepdims=True)
        w1x = w1x_ref[...]
        w1f = w1f_ref[...]
        w2 = w2_ref[...]
        w3 = w3_ref[...]
        bb1 = b1_ref[...]
        bb2 = b2_ref[...]
        bb3 = b3_ref[...]
        xcs = []
        for ns in range(NS):
            xcs.append(gx[:, ns:ns + 1] * w1x[0:1, :]
                       + gy[:, ns:ns + 1] * w1x[1:2, :]
                       + gz[:, ns:ns + 1] * w1x[2:3, :])
        xc = jnp.concatenate(xcs, axis=0)
        x = gf_ref[...]
        h = jnp.maximum(
            jnp.dot(x, w1f, preferred_element_type=jnp.float32) + xc + bb1,
            0.0)
        h = jnp.maximum(
            jnp.dot(h, w2, preferred_element_type=jnp.float32) + bb2, 0.0)
        h = jnp.maximum(
            jnp.dot(h, w3, preferred_element_type=jnp.float32) + bb3, 0.0)
        acc = jnp.zeros((CPW2, 128), jnp.float32)
        for ns in range(NS):
            acc = acc + w[:, ns:ns + 1] * h[ns * CPW2:(ns + 1) * CPW2, :]
        out_ref[...] = acc

    grid = (NW,)
    return pl.pallas_call(
        body,
        grid=grid,
        compiler_params=pltpu.CompilerParams(
            vmem_limit_bytes=100 * 1024 * 1024),
        in_specs=[
            pl.BlockSpec((RPW2, C), lambda i: (i, 0)),
            pl.BlockSpec((CPW2, NS), lambda i: (i, 0)),
            pl.BlockSpec((CPW2, NS), lambda i: (i, 0)),
            pl.BlockSpec((CPW2, NS), lambda i: (i, 0)),
            pl.BlockSpec((3, 64), lambda i: (0, 0)),
            pl.BlockSpec((64, 64), lambda i: (0, 0)),
            pl.BlockSpec((64, 64), lambda i: (0, 0)),
            pl.BlockSpec((64, 128), lambda i: (0, 0)),
            pl.BlockSpec((1, 64), lambda i: (0, 0)),
            pl.BlockSpec((1, 64), lambda i: (0, 0)),
            pl.BlockSpec((1, 128), lambda i: (0, 0)),
        ],
        out_specs=pl.BlockSpec((CPW2, 128), lambda i: (i, 0)),
        out_shape=jax.ShapeDtypeStruct((CH, 128), jnp.float32),
    )(gf2, gxx, gxy, gxz, W1xT, W1fT, W2T, W3T, b1r, b2r, b3r)


def kernel(xyz, new_xyz, features, W1, b1, W2, b2, W3, b3):
    xyz_t = jnp.transpose(xyz, (0, 2, 1)).reshape(-1)
    new_t = jnp.transpose(new_xyz, (0, 2, 1)).reshape(-1)
    feat_rows = jnp.transpose(features, (0, 2, 1)).reshape(B * N, C)
    halves = []
    for h in range(NH):
        gf, gxx_raw, gxy_raw, gxz_raw = _sc_fused(xyz_t, new_t, feat_rows, h)
        halves.append(_tc_mlp(gf,
                              gxx_raw.reshape(CH, NS),
                              gxy_raw.reshape(CH, NS),
                              gxz_raw.reshape(CH, NS),
                              W1, b1, W2, b2, W3, b3))
    out = jnp.concatenate(halves, axis=0)
    out = out.reshape(B, M, 128).transpose(0, 2, 1)
    return (new_xyz, out)

# --- scband reference (transcript-rebuilt; emitter-appended) ---
"""Pipeline reference for scband-grouper4-25039659335966 (READ-ONLY COPY).

The authoritative reference and input builder live on the scoring server;
editing this copy changes nothing except your own understanding.
"""

import jax, jax.numpy as jnp
import numpy as np

B, N, M, C = 4, 8192, 2048, 64
NSAMPLE = 32
RADIUS = 0.4


def setup_inputs(seed: int = 0):
    key = jax.random.key(seed)
    ks = jax.random.split(key, 10)
    xyz = jax.random.uniform(ks[0], (B, N, 3), dtype=jnp.float32)
    new_xyz = jax.random.uniform(ks[1], (B, M, 3), dtype=jnp.float32)
    features = jax.random.normal(ks[2], (B, C, N), dtype=jnp.float32)
    W1 = jax.random.normal(ks[3], (64, C + 3), dtype=jnp.float32) * 0.1
    b1 = jax.random.normal(ks[4], (64,), dtype=jnp.float32) * 0.01
    W2 = jax.random.normal(ks[5], (64, 64), dtype=jnp.float32) * 0.1
    b2 = jax.random.normal(ks[6], (64,), dtype=jnp.float32) * 0.01
    W3 = jax.random.normal(ks[7], (128, 64), dtype=jnp.float32) * 0.1
    b3 = jax.random.normal(ks[8], (128,), dtype=jnp.float32) * 0.01
    return {"xyz": xyz, "new_xyz": new_xyz, "features": features,
            "W1": W1, "b1": b1, "W2": W2, "b2": b2, "W3": W3, "b3": b3}


def _ball_query(xyz, new_xyz):
    # faithful CUDA ball_query semantics: first NSAMPLE in-radius indices in
    # original order; shorter groups padded with first found index; empty -> 0
    sqdist = jnp.sum((new_xyz[:, :, None, :] - xyz[:, None, :, :]) ** 2, axis=-1)  # B,M,N
    mask = sqdist < RADIUS ** 2
    keys = jnp.where(mask, jnp.arange(N, dtype=jnp.int32)[None, None, :], jnp.int32(N))
    order = jnp.argsort(keys, axis=-1)[..., :NSAMPLE]  # B,M,NSAMPLE
    skeys = jnp.take_along_axis(keys, order, axis=-1)
    valid = skeys < N
    first = jnp.where(valid[..., 0:1], order[..., 0:1], 0)
    return jnp.where(valid, order, first)


def reference(xyz, new_xyz, features, W1, b1, W2, b2, W3, b3):
    idx = _ball_query(xyz, new_xyz)  # B,M,NSAMPLE int
    bidx = jnp.arange(B)[:, None, None]
    grouped_xyz = xyz[bidx, idx] - new_xyz[:, :, None, :]  # B,M,ns,3 (relative)
    gx = jnp.transpose(grouped_xyz, (0, 3, 1, 2))  # B,3,M,ns
    f = jnp.transpose(features, (0, 2, 1))  # B,N,C
    gf = jnp.transpose(f[bidx, idx], (0, 3, 1, 2))  # B,C,M,ns
    nf = jnp.concatenate([gx, gf], axis=1)  # B,C+3,M,ns (use_xyz=True)
    # inverse-distance weights from the xyz part
    dist = jnp.sqrt(jnp.sum(nf[:, :3] ** 2, axis=1, keepdims=True))  # B,1,M,ns
    dr = 1.0 / (dist + 1e-8)
    w = dr / jnp.sum(dr, axis=3, keepdims=True)
    # SharedMLP (1x1 convs, bn=False -> bias + ReLU)
    h = jax.nn.relu(jnp.einsum('oc,bcmn->bomn', W1, nf) + b1[None, :, None, None])
    h = jax.nn.relu(jnp.einsum('oc,bcmn->bomn', W2, h) + b2[None, :, None, None])
    h = jax.nn.relu(jnp.einsum('oc,bcmn->bomn', W3, h) + b3[None, :, None, None])
    out = jnp.sum(w * h, axis=3)  # B,128,M
    return (new_xyz, out)

if __name__ == "__main__":
    import jax
    _d = setup_inputs()
    print(jax.jit(kernel)(*tuple(_d.values())))

</pallas_src>

<mosaic_0001>
#map = affine_map<(d0, d1) -> (0)>
#map1 = affine_map<(d0, d1) -> (0, 0)>
module attributes {stable_mosaic.version = 14 : i64} {
  func.func @k(%arg0: i32, %arg1: i32, %arg2: memref<98304xf32, #tpu.memory_space<hbm>>, %arg3: memref<24576xf32, #tpu.memory_space<hbm>>, %arg4: memref<32768x64xf32, #tpu.memory_space<hbm>>, %arg5: memref<262144x64xf32, #tpu.memory_space<hbm>>, %arg6: memref<32x8192xf32, #tpu.memory_space<hbm>>, %arg7: memref<32x8192xf32, #tpu.memory_space<hbm>>, %arg8: memref<32x8192xf32, #tpu.memory_space<hbm>>, %arg9: memref<8192xf32, #tpu.memory_space<vmem>>, %arg10: memref<8192xf32, #tpu.memory_space<vmem>>, %arg11: memref<8192xf32, #tpu.memory_space<vmem>>, %arg12: memref<256xf32, #tpu.memory_space<vmem>>, %arg13: memref<256xf32, #tpu.memory_space<vmem>>, %arg14: memref<256xf32, #tpu.memory_space<vmem>>, %arg15: memref<8192xi32, #tpu.memory_space<vmem>>, %arg16: memref<8192xf32, #tpu.memory_space<vmem>>, %arg17: memref<8192xf32, #tpu.memory_space<vmem>>, %arg18: memref<8192xf32, #tpu.memory_space<vmem>>, %arg19: memref<128x64xf32, #tpu.memory_space<vmem>>, %arg20: memref<128x64xf32, #tpu.memory_space<vmem>>, %arg21: memref<!tpu.dma_semaphore, #tpu.memory_space<semaphore_mem>>, %arg22: memref<!tpu.dma_semaphore, #tpu.memory_space<semaphore_mem>>) attributes {dimension_semantics = [#tpu.dimension_semantics<core_parallel>, #tpu.dimension_semantics<subcore_parallel>], iteration_bounds = array<i64: 2, 16>, scalar_prefetch = 0 : i64, scratch_operands = 14 : i64, tpu.core_type = #tpu.core_type<sc_vector_subcore>, window_params = [{transform_indices = #map}, {transform_indices = #map}, {transform_indices = #map1}, {transform_indices = #map1}, {transform_indices = #map1}, {transform_indices = #map1}, {transform_indices = #map1}]} {
    %mul3A = arith.constant 16 : i32
    %mul3A_0 = arith.muli %arg0, %mul3A : i32
    %add3A = arith.addi %mul3A_0, %arg1 : i32
    %add3A_1 = arith.constant 0 : i32
    %add3A_2 = arith.addi %add3A_1, %add3A : i32
    %jit3A = arith.constant 8 : i32
    %div3A = arith.divsi %add3A_2, %jit3A : i32
    %sign3A = arith.constant 0 : i32
    %sign3A_3 = arith.cmpi sgt, %add3A_2, %sign3A : i32
    %sign3A_4 = arith.extui %sign3A_3 : i1 to i32
    %sign3A_5 = arith.constant 0 : i32
    %sign3A_6 = arith.cmpi slt, %add3A_2, %sign3A_5 : i32
    %sign3A_7 = arith.extui %sign3A_6 : i1 to i32
    %sign3A_8 = arith.subi %sign3A_4, %sign3A_7 : i32
    %sign3A_9 = arith.constant 0 : i32
    %sign3A_10 = arith.cmpi sgt, %jit3A, %sign3A_9 : i32
    %sign3A_11 = arith.extui %sign3A_10 : i1 to i32
    %sign3A_12 = arith.constant 0 : i32
    %sign3A_13 = arith.cmpi slt, %jit3A, %sign3A_12 : i32
    %sign3A_14 = arith.extui %sign3A_13 : i1 to i32
    %sign3A_15 = arith.subi %sign3A_11, %sign3A_14 : i32
    %ne3A = arith.cmpi ne, %sign3A_8, %sign3A_15 : i32
    %rem3A = arith.remsi %add3A_2, %jit3A : i32
    %ne3A_16 = arith.constant 0 : i32
    %ne3A_17 = arith.cmpi ne, %rem3A, %ne3A_16 : i32
    %and3A = arith.andi %ne3A, %ne3A_17 : i1
    %sub3A = arith.constant 1 : i32
    %sub3A_18 = arith.subi %div3A, %sub3A : i32
    %select_n3A = arith.select %and3A, %sub3A_18, %div3A : i32
    %jit3A_19 = arith.constant 8 : i32
    %eq3A = arith.constant 0 : i32
    %eq3A_20 = arith.cmpi eq, %jit3A_19, %eq3A : i32
    %jit3A_21 = arith.constant 1 : i32
    %select_n3A_22 = arith.select %eq3A_20, %jit3A_21, %jit3A_19 : i32
    %rem3A_23 = arith.remsi %add3A_2, %select_n3A_22 : i32
    %ne3A_24 = arith.constant 0 : i32
    %ne3A_25 = arith.cmpi ne, %rem3A_23, %ne3A_24 : i32
    %lt3A = arith.constant 0 : i32
    %lt3A_26 = arith.cmpi slt, %rem3A_23, %lt3A : i32
    %lt3A_27 = arith.constant 0 : i32
    %lt3A_28 = arith.cmpi slt, %select_n3A_22, %lt3A_27 : i32
    %ne3A_29 = arith.xori %lt3A_26, %lt3A_28 : i1
    %and3A_30 = arith.andi %ne3A_29, %ne3A_25 : i1
    %add3A_31 = arith.addi %rem3A_23, %select_n3A_22 : i32
    %select_n3A_32 = arith.select %and3A_30, %add3A_31, %rem3A_23 : i32
    %mul3A_33 = arith.constant 256 : i32
    %mul3A_34 = arith.muli %select_n3A_32, %mul3A_33 : i32
    %mul3A_35 = arith.constant 3 : i32
    %mul3A_36 = arith.muli %select_n3A, %mul3A_35 : i32
    %add3A_37 = arith.constant 0 : i32
    %add3A_38 = arith.addi %mul3A_36, %add3A_37 : i32
    %mul3A_39 = arith.constant 8192 : i32
    %mul3A_40 = arith.muli %add3A_38, %mul3A_39 : i32
    "tpu.region"() ({
      %run_scoped3A = tpu.sem_alloc : memref<!tpu.dma_semaphore, #tpu.memory_space<semaphore_mem>>
      %dma_start3A_95 = tpu.memref_slice %arg2[%mul3A_40] : memref<98304xf32, #tpu.memory_space<hbm>> -> memref<8192xf32, #tpu.memory_space<hbm>>
      %dma_start3A_96 = tpu.memref_slice %arg2[%mul3A_40] : memref<98304xf32, #tpu.memory_space<hbm>> -> memref<8192xf32, #tpu.memory_space<hbm>>
      tpu.enqueue_dma source(%dma_start3A_96 : memref<8192xf32, #tpu.memory_space<hbm>>) target(%arg9 : memref<8192xf32, #tpu.memory_space<vmem>>) target_semaphore(%run_scoped3A : memref<!tpu.dma_semaphore, #tpu.memory_space<semaphore_mem>>)
      %dma_wait3A = tpu.memref_slice %arg2[%mul3A_40] : memref<98304xf32, #tpu.memory_space<hbm>> -> memref<8192xf32, #tpu.memory_space<hbm>>
      %dma_wait3A_97 = tpu.memref_slice %arg2[%mul3A_40] : memref<98304xf32, #tpu.memory_space<hbm>> -> memref<8192xf32, #tpu.memory_space<hbm>>
      tpu.wait_dma2 semaphore(%run_scoped3A : memref<!tpu.dma_semaphore, #tpu.memory_space<semaphore_mem>>) src(%dma_wait3A_97 : memref<8192xf32, #tpu.memory_space<hbm>>) dst(%arg9 : memref<8192xf32, #tpu.memory_space<vmem>>)
      tpu.yield
    }) : () -> ()
    %mul3A_41 = arith.constant 3 : i32
    %mul3A_42 = arith.muli %select_n3A, %mul3A_41 : i32
    %add3A_43 = arith.constant 1 : i32
    %add3A_44 = arith.addi %mul3A_42, %add3A_43 : i32
    %mul3A_45 = arith.constant 8192 : i32
    %mul3A_46 = arith.muli %add3A_44, %mul3A_45 : i32
    "tpu.region"() ({
      %run_scoped3A = tpu.sem_alloc : memref<!tpu.dma_semaphore, #tpu.memory_space<semaphore_mem>>
      %dma_start3A_95 = tpu.memref_slice %arg2[%mul3A_46] : memref<98304xf32, #tpu.memory_space<hbm>> -> memref<8192xf32, #tpu.memory_space<hbm>>
      %dma_start3A_96 = tpu.memref_slice %arg2[%mul3A_46] : memref<98304xf32, #tpu.memory_space<hbm>> -> memref<8192xf32, #tpu.memory_space<hbm>>
      tpu.enqueue_dma source(%dma_start3A_96 : memref<8192xf32, #tpu.memory_space<hbm>>) target(%arg10 : memref<8192xf32, #tpu.memory_space<vmem>>) target_semaphore(%run_scoped3A : memref<!tpu.dma_semaphore, #tpu.memory_space<semaphore_mem>>)
      %dma_wait3A = tpu.memref_slice %arg2[%mul3A_46] : memref<98304xf32, #tpu.memory_space<hbm>> -> memref<8192xf32, #tpu.memory_space<hbm>>
      %dma_wait3A_97 = tpu.memref_slice %arg2[%mul3A_46] : memref<98304xf32, #tpu.memory_space<hbm>> -> memref<8192xf32, #tpu.memory_space<hbm>>
      tpu.wait_dma2 semaphore(%run_scoped3A : memref<!tpu.dma_semaphore, #tpu.memory_space<semaphore_mem>>) src(%dma_wait3A_97 : memref<8192xf32, #tpu.memory_space<hbm>>) dst(%arg10 : memref<8192xf32, #tpu.memory_space<vmem>>)
      tpu.yield
    }) : () -> ()
    %mul3A_47 = arith.constant 3 : i32
    %mul3A_48 = arith.muli %select_n3A, %mul3A_47 : i32
    %add3A_49 = arith.constant 2 : i32
    %add3A_50 = arith.addi %mul3A_48, %add3A_49 : i32
    %mul3A_51 = arith.constant 8192 : i32
    %mul3A_52 = arith.muli %add3A_50, %mul3A_51 : i32
    "tpu.region"() ({
      %run_scoped3A = tpu.sem_alloc : memref<!tpu.dma_semaphore, #tpu.memory_space<semaphore_mem>>
      %dma_start3A_95 = tpu.memref_slice %arg2[%mul3A_52] : memref<98304xf32, #tpu.memory_space<hbm>> -> memref<8192xf32, #tpu.memory_space<hbm>>
      %dma_start3A_96 = tpu.memref_slice %arg2[%mul3A_52] : memref<98304xf32, #tpu.memory_space<hbm>> -> memref<8192xf32, #tpu.memory_space<hbm>>
      tpu.enqueue_dma source(%dma_start3A_96 : memref<8192xf32, #tpu.memory_space<hbm>>) target(%arg11 : memref<8192xf32, #tpu.memory_space<vmem>>) target_semaphore(%run_scoped3A : memref<!tpu.dma_semaphore, #tpu.memory_space<semaphore_mem>>)
      %dma_wait3A = tpu.memref_slice %arg2[%mul3A_52] : memref<98304xf32, #tpu.memory_space<hbm>> -> memref<8192xf32, #tpu.memory_space<hbm>>
      %dma_wait3A_97 = tpu.memref_slice %arg2[%mul3A_52] : memref<98304xf32, #tpu.memory_space<hbm>> -> memref<8192xf32, #tpu.memory_space<hbm>>
      tpu.wait_dma2 semaphore(%run_scoped3A : memref<!tpu.dma_semaphore, #tpu.memory_space<semaphore_mem>>) src(%dma_wait3A_97 : memref<8192xf32, #tpu.memory_space<hbm>>) dst(%arg11 : memref<8192xf32, #tpu.memory_space<vmem>>)
      tpu.yield
    }) : () -> ()
    %mul3A_53 = arith.constant 3 : i32
    %mul3A_54 = arith.muli %select_n3A, %mul3A_53 : i32
    %add3A_55 = arith.constant 0 : i32
    %add3A_56 = arith.addi %mul3A_54, %add3A_55 : i32
    %mul3A_57 = arith.constant 2048 : i32
    %mul3A_58 = arith.muli %add3A_56, %mul3A_57 : i32
    %add3A_59 = arith.addi %mul3A_58, %mul3A_34 : i32
    "tpu.region"() ({
      %run_scoped3A = tpu.sem_alloc : memref<!tpu.dma_semaphore, #tpu.memory_space<semaphore_mem>>
      %dma_start3A_95 = tpu.memref_slice %arg3[%add3A_59] : memref<24576xf32, #tpu.memory_space<hbm>> -> memref<256xf32, #tpu.memory_space<hbm>>
      %dma_start3A_96 = tpu.memref_slice %arg3[%add3A_59] : memref<24576xf32, #tpu.memory_space<hbm>> -> memref<256xf32, #tpu.memory_space<hbm>>
      tpu.enqueue_dma source(%dma_start3A_96 : memref<256xf32, #tpu.memory_space<hbm>>) target(%arg12 : memref<256xf32, #tpu.memory_space<vmem>>) target_semaphore(%run_scoped3A : memref<!tpu.dma_semaphore, #tpu.memory_space<semaphore_mem>>)
      %dma_wait3A = tpu.memref_slice %arg3[%add3A_59] : memref<24576xf32, #tpu.memory_space<hbm>> -> memref<256xf32, #tpu.memory_space<hbm>>
      %dma_wait3A_97 = tpu.memref_slice %arg3[%add3A_59] : memref<24576xf32, #tpu.memory_space<hbm>> -> memref<256xf32, #tpu.memory_space<hbm>>
      tpu.wait_dma2 semaphore(%run_scoped3A : memref<!tpu.dma_semaphore, #tpu.memory_space<semaphore_mem>>) src(%dma_wait3A_97 : memref<256xf32, #tpu.memory_space<hbm>>) dst(%arg12 : memref<256xf32, #tpu.memory_space<vmem>>)
      tpu.yield
    }) : () -> ()
    %mul3A_60 = arith.constant 3 : i32
    %mul3A_61 = arith.muli %select_n3A, %mul3A_60 : i32
    %add3A_62 = arith.constant 1 : i32
    %add3A_63 = arith.addi %mul3A_61, %add3A_62 : i32
    %mul3A_64 = arith.constant 2048 : i32
    %mul3A_65 = arith.muli %add3A_63, %mul3A_64 : i32
    %add3A_66 = arith.addi %mul3A_65, %mul3A_34 : i32
    "tpu.region"() ({
      %run_scoped3A = tpu.sem_alloc : memref<!tpu.dma_semaphore, #tpu.memory_space<semaphore_mem>>
      %dma_start3A_95 = tpu.memref_slice %arg3[%add3A_66] : memref<24576xf32, #tpu.memory_space<hbm>> -> memref<256xf32, #tpu.memory_space<hbm>>
      %dma_start3A_96 = tpu.memref_slice %arg3[%add3A_66] : memref<24576xf32, #tpu.memory_space<hbm>> -> memref<256xf32, #tpu.memory_space<hbm>>
      tpu.enqueue_dma source(%dma_start3A_96 : memref<256xf32, #tpu.memory_space<hbm>>) target(%arg13 : memref<256xf32, #tpu.memory_space<vmem>>) target_semaphore(%run_scoped3A : memref<!tpu.dma_semaphore, #tpu.memory_space<semaphore_mem>>)
      %dma_wait3A = tpu.memref_slice %arg3[%add3A_66] : memref<24576xf32, #tpu.memory_space<hbm>> -> memref<256xf32, #tpu.memory_space<hbm>>
      %dma_wait3A_97 = tpu.memref_slice %arg3[%add3A_66] : memref<24576xf32, #tpu.memory_space<hbm>> -> memref<256xf32, #tpu.memory_space<hbm>>
      tpu.wait_dma2 semaphore(%run_scoped3A : memref<!tpu.dma_semaphore, #tpu.memory_space<semaphore_mem>>) src(%dma_wait3A_97 : memref<256xf32, #tpu.memory_space<hbm>>) dst(%arg13 : memref<256xf32, #tpu.memory_space<vmem>>)
      tpu.yield
    }) : () -> ()
    %mul3A_67 = arith.constant 3 : i32
    %mul3A_68 = arith.muli %select_n3A, %mul3A_67 : i32
    %add3A_69 = arith.constant 2 : i32
    %add3A_70 = arith.addi %mul3A_68, %add3A_69 : i32
    %mul3A_71 = arith.constant 2048 : i32
    %mul3A_72 = arith.muli %add3A_70, %mul3A_71 : i32
    %add3A_73 = arith.addi %mul3A_72, %mul3A_34 : i32
    "tpu.region"() ({
      %run_scoped3A = tpu.sem_alloc : memref<!tpu.dma_semaphore, #tpu.memory_space<semaphore_mem>>
      %dma_start3A_95 = tpu.memref_slice %arg3[%add3A_73] : memref<24576xf32, #tpu.memory_space<hbm>> -> memref<256xf32, #tpu.memory_space<hbm>>
      %dma_start3A_96 = tpu.memref_slice %arg3[%add3A_73] : memref<24576xf32, #tpu.memory_space<hbm>> -> memref<256xf32, #tpu.memory_space<hbm>>
      tpu.enqueue_dma source(%dma_start3A_96 : memref<256xf32, #tpu.memory_space<hbm>>) target(%arg14 : memref<256xf32, #tpu.memory_space<vmem>>) target_semaphore(%run_scoped3A : memref<!tpu.dma_semaphore, #tpu.memory_space<semaphore_mem>>)
      %dma_wait3A = tpu.memref_slice %arg3[%add3A_73] : memref<24576xf32, #tpu.memory_space<hbm>> -> memref<256xf32, #tpu.memory_space<hbm>>
      %dma_wait3A_97 = tpu.memref_slice %arg3[%add3A_73] : memref<24576xf32, #tpu.memory_space<hbm>> -> memref<256xf32, #tpu.memory_space<hbm>>
      tpu.wait_dma2 semaphore(%run_scoped3A : memref<!tpu.dma_semaphore, #tpu.memory_space<semaphore_mem>>) src(%dma_wait3A_97 : memref<256xf32, #tpu.memory_space<hbm>>) dst(%arg14 : memref<256xf32, #tpu.memory_space<vmem>>)
      tpu.yield
    }) : () -> ()
    %iota3A = tpu.iota {dimensions = array<i32: 0>} : vector<16xi32>
    %broadcast_in_dim3A = arith.constant 0 : i32
    %broadcast_in_dim3A_74 = vector.broadcast %broadcast_in_dim3A : i32 to vector<16xi32>
    %mul3A_75 = arith.constant 8192 : i32
    %mul3A_76 = arith.muli %select_n3A, %mul3A_75 : i32
    %scan3A = arith.constant 0 : i32
    %scan3A_77 = arith.constant 0 : i32
    %scan3A_78 = arith.constant 256 : i32
    %scan3A_79 = arith.addi %scan3A_77, %scan3A_78 : i32
    %scan3A_80 = arith.constant 1 : i32
    scf.for %scan3A_95 = %scan3A_77 to %scan3A_79 step %scan3A_80  : i32 {
      %broadcast_in_dim3A_96 = vector.broadcast %scan3A_95 : i32 to vector<16xi32>
      %jit3A_97 = arith.constant 16 : i32
      %div3A_98 = arith.divsi %scan3A_95, %jit3A_97 : i32
      %sign3A_99 = arith.constant 0 : i32
      %sign3A_100 = arith.cmpi sgt, %scan3A_95, %sign3A_99 : i32
      %sign3A_101 = arith.extui %sign3A_100 : i1 to i32
      %sign3A_102 = arith.constant 0 : i32
      %sign3A_103 = arith.cmpi slt, %scan3A_95, %sign3A_102 : i32
      %sign3A_104 = arith.extui %sign3A_103 : i1 to i32
      %sign3A_105 = arith.subi %sign3A_101, %sign3A_104 : i32
      %sign3A_106 = arith.constant 0 : i32
      %sign3A_107 = arith.cmpi sgt, %jit3A_97, %sign3A_106 : i32
      %sign3A_108 = arith.extui %sign3A_107 : i1 to i32
      %sign3A_109 = arith.constant 0 : i32
      %sign3A_110 = arith.cmpi slt, %jit3A_97, %sign3A_109 : i32
      %sign3A_111 = arith.extui %sign3A_110 : i1 to i32
      %sign3A_112 = arith.subi %sign3A_108, %sign3A_111 : i32
      %ne3A_113 = arith.cmpi ne, %sign3A_105, %sign3A_112 : i32
      %rem3A_114 = arith.remsi %scan3A_95, %jit3A_97 : i32
      %ne3A_115 = arith.constant 0 : i32
      %ne3A_116 = arith.cmpi ne, %rem3A_114, %ne3A_115 : i32
      %and3A_117 = arith.andi %ne3A_113, %ne3A_116 : i1
      %sub3A_118 = arith.constant 1 : i32
      %sub3A_119 = arith.subi %div3A_98, %sub3A_118 : i32
      %select_n3A_120 = arith.select %and3A_117, %sub3A_119, %div3A_98 : i32
      %mul3A_121 = arith.constant 16 : i32
      %mul3A_122 = arith.muli %select_n3A_120, %mul3A_121 : i32
      %rem3A_123 = arith.constant 16 : i32
      %rem3A_124 = arith.remsi %scan3A_95, %rem3A_123 : i32
      %broadcast_in_dim3A_125 = vector.broadcast %rem3A_124 : i32 to vector<16xi32>
      %get3A = arith.index_cast %mul3A_122 : i32 to index
      %get3A_126 = tpu.vector_load %arg12[%get3A] {strides = array<i32>} : memref<256xf32, #tpu.memory_space<vmem>>, vector<16xf32>,
      %lt3A_127 = arith.constant 0 : i32
      %lt3A_128 = vector.broadcast %lt3A_127 : i32 to vector<16xi32>
      %lt3A_129 = arith.cmpi slt, %broadcast_in_dim3A_125, %lt3A_128 : vector<16xi32>
      %add3A_130 = arith.constant 16 : i32
      %add3A_131 = vector.broadcast %add3A_130 : i32 to vector<16xi32>
      %add3A_132 = arith.addi %broadcast_in_dim3A_125, %add3A_131 : vector<16xi32>
      %select_n3A_133 = arith.select %lt3A_129, %add3A_132, %broadcast_in_dim3A_125 : vector<16xi1>, vector<16xi32>
      %broadcast_in_dim3A_134 = vector.shape_cast %select_n3A_133 : vector<16xi32> to vector<16x1xi32>
      %gather3A = vector.shape_cast %broadcast_in_dim3A_134 : vector<16x1xi32> to vector<16xi32>
      %gather3A_135 = tpu.dynamic_gather %get3A_126[%gather3A] in [0] : vector<16xf32>, vector<16xi32> -> vector<16xf32>
      %get3A_136 = arith.index_cast %mul3A_122 : i32 to index
      %get3A_137 = tpu.vector_load %arg13[%get3A_136] {strides = array<i32>} : memref<256xf32, #tpu.memory_space<vmem>>, vector<16xf32>,
      %lt3A_138 = arith.constant 0 : i32
      %lt3A_139 = vector.broadcast %lt3A_138 : i32 to vector<16xi32>
      %lt3A_140 = arith.cmpi slt, %broadcast_in_dim3A_125, %lt3A_139 : vector<16xi32>
      %add3A_141 = arith.constant 16 : i32
      %add3A_142 = vector.broadcast %add3A_141 : i32 to vector<16xi32>
      %add3A_143 = arith.addi %broadcast_in_dim3A_125, %add3A_142 : vector<16xi32>
      %select_n3A_144 = arith.select %lt3A_140, %add3A_143, %broadcast_in_dim3A_125 : vector<16xi1>, vector<16xi32>
      %broadcast_in_dim3A_145 = vector.shape_cast %select_n3A_144 : vector<16xi32> to vector<16x1xi32>
      %gather3A_146 = vector.shape_cast %broadcast_in_dim3A_145 : vector<16x1xi32> to vector<16xi32>
      %gather3A_147 = tpu.dynamic_gather %get3A_137[%gather3A_146] in [0] : vector<16xf32>, vector<16xi32> -> vector<16xf32>
      %get3A_148 = arith.index_cast %mul3A_122 : i32 to index
      %get3A_149 = tpu.vector_load %arg14[%get3A_148] {strides = array<i32>} : memref<256xf32, #tpu.memory_space<vmem>>, vector<16xf32>,
      %lt3A_150 = arith.constant 0 : i32
      %lt3A_151 = vector.broadcast %lt3A_150 : i32 to vector<16xi32>
      %lt3A_152 = arith.cmpi slt, %broadcast_in_dim3A_125, %lt3A_151 : vector<16xi32>
      %add3A_153 = arith.constant 16 : i32
      %add3A_154 = vector.broadcast %add3A_153 : i32 to vector<16xi32>
      %add3A_155 = arith.addi %broadcast_in_dim3A_125, %add3A_154 : vector<16xi32>
      %select_n3A_156 = arith.select %lt3A_152, %add3A_155, %broadcast_in_dim3A_125 : vector<16xi1>, vector<16xi32>
      %broadcast_in_dim3A_157 = vector.shape_cast %select_n3A_156 : vector<16xi32> to vector<16x1xi32>
      %gather3A_158 = vector.shape_cast %broadcast_in_dim3A_157 : vector<16x1xi32> to vector<16xi32>
      %gather3A_159 = tpu.dynamic_gather %get3A_149[%gather3A_158] in [0] : vector<16xf32>, vector<16xi32> -> vector<16xf32>
      %while3A = arith.constant 0 : i32
      %while3A_160 = arith.constant 0 : i32
      %while3A_161:2 = scf.while (%while3A_165 = %while3A, %while3A_166 = %while3A_160) : (i32, i32) -> (i32, i32) {
        %lt3A_167 = arith.constant 512 : i32
        %lt3A_168 = arith.cmpi slt, %while3A_165, %lt3A_167 : i32
        %lt3A_169 = arith.constant 32 : i32
        %lt3A_170 = arith.cmpi slt, %while3A_166, %lt3A_169 : i32
        %and3A_171 = arith.andi %lt3A_168, %lt3A_170 : i1
        scf.condition(%and3A_171) %while3A_165, %while3A_166 : i32, i32
      } do {
      ^bb0(%while3A_165: i32, %while3A_166: i32):
        %mul3A_167 = arith.constant 16 : i32
        %mul3A_168 = arith.muli %while3A_165, %mul3A_167 : i32
        %get3A_169 = arith.index_cast %mul3A_168 : i32 to index
        %get3A_170 = tpu.vector_load %arg9[%get3A_169] {strides = array<i32>} : memref<8192xf32, #tpu.memory_space<vmem>>, vector<16xf32>,
        %get3A_171 = arith.index_cast %mul3A_168 : i32 to index
        %get3A_172 = tpu.vector_load %arg10[%get3A_171] {strides = array<i32>} : memref<8192xf32, #tpu.memory_space<vmem>>, vector<16xf32>,
        %get3A_173 = arith.index_cast %mul3A_168 : i32 to index
        %get3A_174 = tpu.vector_load %arg11[%get3A_173] {strides = array<i32>} : memref<8192xf32, #tpu.memory_space<vmem>>, vector<16xf32>,
        %sub3A_175 = arith.subf %get3A_170, %gather3A_135 : vector<16xf32>
        %sub3A_176 = arith.subf %get3A_172, %gather3A_147 : vector<16xf32>
        %sub3A_177 = arith.subf %get3A_174, %gather3A_159 : vector<16xf32>
        %mul3A_178 = arith.mulf %sub3A_175, %sub3A_175 : vector<16xf32>
        %mul3A_179 = arith.mulf %sub3A_176, %sub3A_176 : vector<16xf32>
        %add3A_180 = arith.addf %mul3A_178, %mul3A_179 : vector<16xf32>
        %mul3A_181 = arith.mulf %sub3A_177, %sub3A_177 : vector<16xf32>
        %add3A_182 = arith.addf %add3A_180, %mul3A_181 : vector<16xf32>
        %lt3A_183 = arith.constant 1.600000e-01 : f32
        %lt3A_184 = vector.broadcast %lt3A_183 : f32 to vector<16xf32>
        %lt3A_185 = arith.cmpf olt, %add3A_182, %lt3A_184 : vector<16xf32>
        %convert_element_type3A_186 = arith.extui %lt3A_185 : vector<16xi1> to vector<16xi32>
        %broadcast_in_dim3A_187 = arith.constant true
        %broadcast_in_dim3A_188 = vector.broadcast %broadcast_in_dim3A_187 : i1 to vector<16xi1>
        %masked_cumsum3A = tpu.scan <sum>, %convert_element_type3A_186 masked %broadcast_in_dim3A_188 : vector<16xi32>, vector<16xi1> -> vector<16xi32>
        %add3A_189 = vector.broadcast %while3A_166 : i32 to vector<16xi32>
        %add3A_190 = arith.addi %add3A_189, %masked_cumsum3A : vector<16xi32>
        %sub3A_191 = arith.constant 1 : i32
        %sub3A_192 = vector.broadcast %sub3A_191 : i32 to vector<16xi32>
        %sub3A_193 = arith.subi %add3A_190, %sub3A_192 : vector<16xi32>
        %lt3A_194 = arith.constant 32 : i32
        %lt3A_195 = vector.broadcast %lt3A_194 : i32 to vector<16xi32>
        %lt3A_196 = arith.cmpi slt, %sub3A_193, %lt3A_195 : vector<16xi32>
        %and3A_197 = arith.andi %lt3A_185, %lt3A_196 : vector<16xi1>
        %add3A_198 = vector.broadcast %mul3A_168 : i32 to vector<16xi32>
        %add3A_199 = arith.addi %add3A_198, %iota3A : vector<16xi32>
        %add3A_200 = vector.broadcast %mul3A_76 : i32 to vector<16xi32>
        %add3A_201 = arith.addi %add3A_199, %add3A_200 : vector<16xi32>
        %mul3A_202 = arith.constant 256 : i32
        %mul3A_203 = vector.broadcast %mul3A_202 : i32 to vector<16xi32>
        %mul3A_204 = arith.muli %sub3A_193, %mul3A_203 : vector<16xi32>
        %add3A_205 = arith.addi %mul3A_204, %broadcast_in_dim3A_96 : vector<16xi32>
        tpu.vector_store_idx %arg15[%add3A_205], %add3A_201 masked %and3A_197 : memref<8192xi32, #tpu.memory_space<vmem>>[vector<16xi32>], vector<16xi32>, vector<16xi1>
        %mul3A_206 = arith.constant 32 : i32
        %mul3A_207 = vector.broadcast %mul3A_206 : i32 to vector<16xi32>
        %mul3A_208 = arith.muli %broadcast_in_dim3A_96, %mul3A_207 : vector<16xi32>
        %add3A_209 = arith.addi %mul3A_208, %sub3A_193 : vector<16xi32>
        tpu.vector_store_idx %arg16[%add3A_209], %sub3A_175 masked %and3A_197 : memref<8192xf32, #tpu.memory_space<vmem>>[vector<16xi32>], vector<16xf32>, vector<16xi1>
        %mul3A_210 = arith.constant 32 : i32
        %mul3A_211 = vector.broadcast %mul3A_210 : i32 to vector<16xi32>
        %mul3A_212 = arith.muli %broadcast_in_dim3A_96, %mul3A_211 : vector<16xi32>
        %add3A_213 = arith.addi %mul3A_212, %sub3A_193 : vector<16xi32>
        tpu.vector_store_idx %arg17[%add3A_213], %sub3A_176 masked %and3A_197 : memref<8192xf32, #tpu.memory_space<vmem>>[vector<16xi32>], vector<16xf32>, vector<16xi1>
        %mul3A_214 = arith.constant 32 : i32
        %mul3A_215 = vector.broadcast %mul3A_214 : i32 to vector<16xi32>
        %mul3A_216 = arith.muli %broadcast_in_dim3A_96, %mul3A_215 : vector<16xi32>
        %add3A_217 = arith.addi %mul3A_216, %sub3A_193 : vector<16xi32>
        tpu.vector_store_idx %arg18[%add3A_217], %sub3A_177 masked %and3A_197 : memref<8192xf32, #tpu.memory_space<vmem>>[vector<16xi32>], vector<16xf32>, vector<16xi1>
        %add3A_218 = arith.constant 1 : i32
        %add3A_219 = arith.addi %while3A_165, %add3A_218 : i32
        %slice3A = vector.extract_strided_slice %masked_cumsum3A {offsets = [15], sizes = [1], strides = [1]} : vector<16xi32> to vector<1xi32>
        %squeeze3A = vector.extract %slice3A[0] : i32 from vector<1xi32>
        %add3A_220 = arith.addi %while3A_166, %squeeze3A : i32
        scf.yield %add3A_219, %add3A_220 : i32, i32
      }
      %lt3A_162 = arith.constant 32 : i32
      %lt3A_163 = arith.cmpi slt, %while3A_161#1, %lt3A_162 : i32
      %convert_element_type3A = arith.extui %lt3A_163 : i1 to i32
      %cond3A = arith.constant 0 : i32
      %cond3A_164 = arith.cmpi ne, %convert_element_type3A, %cond3A : i32
      scf.if %cond3A_164 {
        %get3A_165 = arith.index_cast %scan3A_95 : i32 to index
        %get3A_166 = tpu.vector_load %arg15[%get3A_165] {strides = array<i32>} : memref<8192xi32, #tpu.memory_space<vmem>>, vector<16xi32>,
        %lt3A_167 = arith.constant 0 : i32
        %lt3A_168 = vector.broadcast %lt3A_167 : i32 to vector<16xi32>
        %lt3A_169 = arith.cmpi slt, %broadcast_in_dim3A_74, %lt3A_168 : vector<16xi32>
        %add3A_170 = arith.constant 16 : i32
        %add3A_171 = vector.broadcast %add3A_170 : i32 to vector<16xi32>
        %add3A_172 = arith.addi %broadcast_in_dim3A_74, %add3A_171 : vector<16xi32>
        %select_n3A_173 = arith.select %lt3A_169, %add3A_172, %broadcast_in_dim3A_74 : vector<16xi1>, vector<16xi32>
        %broadcast_in_dim3A_174 = vector.shape_cast %select_n3A_173 : vector<16xi32> to vector<16x1xi32>
        %gather3A_175 = vector.shape_cast %broadcast_in_dim3A_174 : vector<16x1xi32> to vector<16xi32>
        %gather3A_176 = tpu.dynamic_gather %get3A_166[%gather3A_175] in [0] : vector<16xi32>, vector<16xi32> -> vector<16xi32>
        %gt3A = arith.constant 0 : i32
        %gt3A_177 = arith.cmpi sgt, %while3A_161#1, %gt3A : i32
        %broadcast_in_dim3A_178 = vector.broadcast %mul3A_76 : i32 to vector<16xi32>
        %select_n3A_179 = arith.select %gt3A_177, %gather3A_176, %broadcast_in_dim3A_178 : vector<16xi32>
        %sub3A_180 = vector.broadcast %mul3A_76 : i32 to vector<16xi32>
        %sub3A_181 = arith.subi %select_n3A_179, %sub3A_180 : vector<16xi32>
        %gather3A_182 = tpu.vector_load_idx %arg9[%sub3A_181] : memref<8192xf32, #tpu.memory_space<vmem>>[vector<16xi32>], vector<16xf32>,
        %sub3A_183 = arith.subf %gather3A_182, %gather3A_135 : vector<16xf32>
        %gather3A_184 = tpu.vector_load_idx %arg10[%sub3A_181] : memref<8192xf32, #tpu.memory_space<vmem>>[vector<16xi32>], vector<16xf32>,
        %sub3A_185 = arith.subf %gather3A_184, %gather3A_147 : vector<16xf32>
        %gather3A_186 = tpu.vector_load_idx %arg11[%sub3A_181] : memref<8192xf32, #tpu.memory_space<vmem>>[vector<16xi32>], vector<16xf32>,
        %sub3A_187 = arith.subf %gather3A_186, %gather3A_159 : vector<16xf32>
        %add3A_188 = arith.constant 0 : i32
        %add3A_189 = vector.broadcast %add3A_188 : i32 to vector<16xi32>
        %add3A_190 = arith.addi %iota3A, %add3A_189 : vector<16xi32>
        %ge3A = vector.broadcast %while3A_161#1 : i32 to vector<16xi32>
        %ge3A_191 = arith.cmpi sge, %add3A_190, %ge3A : vector<16xi32>
        %mul3A_192 = arith.constant 256 : i32
        %mul3A_193 = vector.broadcast %mul3A_192 : i32 to vector<16xi32>
        %mul3A_194 = arith.muli %add3A_190, %mul3A_193 : vector<16xi32>
        %add3A_195 = arith.addi %mul3A_194, %broadcast_in_dim3A_96 : vector<16xi32>
        tpu.vector_store_idx %arg15[%add3A_195], %select_n3A_179 masked %ge3A_191 : memref<8192xi32, #tpu.memory_space<vmem>>[vector<16xi32>], vector<16xi32>, vector<16xi1>
        %mul3A_196 = arith.constant 32 : i32
        %mul3A_197 = vector.broadcast %mul3A_196 : i32 to vector<16xi32>
        %mul3A_198 = arith.muli %broadcast_in_dim3A_96, %mul3A_197 : vector<16xi32>
        %add3A_199 = arith.addi %mul3A_198, %add3A_190 : vector<16xi32>
        tpu.vector_store_idx %arg16[%add3A_199], %sub3A_183 masked %ge3A_191 : memref<8192xf32, #tpu.memory_space<vmem>>[vector<16xi32>], vector<16xf32>, vector<16xi1>
        %mul3A_200 = arith.constant 32 : i32
        %mul3A_201 = vector.broadcast %mul3A_200 : i32 to vector<16xi32>
        %mul3A_202 = arith.muli %broadcast_in_dim3A_96, %mul3A_201 : vector<16xi32>
        %add3A_203 = arith.addi %mul3A_202, %add3A_190 : vector<16xi32>
        tpu.vector_store_idx %arg17[%add3A_203], %sub3A_185 masked %ge3A_191 : memref<8192xf32, #tpu.memory_space<vmem>>[vector<16xi32>], vector<16xf32>, vector<16xi1>
        %mul3A_204 = arith.constant 32 : i32
        %mul3A_205 = vector.broadcast %mul3A_204 : i32 to vector<16xi32>
        %mul3A_206 = arith.muli %broadcast_in_dim3A_96, %mul3A_205 : vector<16xi32>
        %add3A_207 = arith.addi %mul3A_206, %add3A_190 : vector<16xi32>
        tpu.vector_store_idx %arg18[%add3A_207], %sub3A_187 masked %ge3A_191 : memref<8192xf32, #tpu.memory_space<vmem>>[vector<16xi32>], vector<16xf32>, vector<16xi1>
        %add3A_208 = arith.constant 16 : i32
        %add3A_209 = vector.broadcast %add3A_208 : i32 to vector<16xi32>
        %add3A_210 = arith.addi %iota3A, %add3A_209 : vector<16xi32>
        %ge3A_211 = vector.broadcast %while3A_161#1 : i32 to vector<16xi32>
        %ge3A_212 = arith.cmpi sge, %add3A_210, %ge3A_211 : vector<16xi32>
        %mul3A_213 = arith.constant 256 : i32
        %mul3A_214 = vector.broadcast %mul3A_213 : i32 to vector<16xi32>
        %mul3A_215 = arith.muli %add3A_210, %mul3A_214 : vector<16xi32>
        %add3A_216 = arith.addi %mul3A_215, %broadcast_in_dim3A_96 : vector<16xi32>
        tpu.vector_store_idx %arg15[%add3A_216], %select_n3A_179 masked %ge3A_212 : memref<8192xi32, #tpu.memory_space<vmem>>[vector<16xi32>], vector<16xi32>, vector<16xi1>
        %mul3A_217 = arith.constant 32 : i32
        %mul3A_218 = vector.broadcast %mul3A_217 : i32 to vector<16xi32>
        %mul3A_219 = arith.muli %broadcast_in_dim3A_96, %mul3A_218 : vector<16xi32>
        %add3A_220 = arith.addi %mul3A_219, %add3A_210 : vector<16xi32>
        tpu.vector_store_idx %arg16[%add3A_220], %sub3A_183 masked %ge3A_212 : memref<8192xf32, #tpu.memory_space<vmem>>[vector<16xi32>], vector<16xf32>, vector<16xi1>
        %mul3A_221 = arith.constant 32 : i32
        %mul3A_222 = vector.broadcast %mul3A_221 : i32 to vector<16xi32>
        %mul3A_223 = arith.muli %broadcast_in_dim3A_96, %mul3A_222 : vector<16xi32>
        %add3A_224 = arith.addi %mul3A_223, %add3A_210 : vector<16xi32>
        tpu.vector_store_idx %arg17[%add3A_224], %sub3A_185 masked %ge3A_212 : memref<8192xf32, #tpu.memory_space<vmem>>[vector<16xi32>], vector<16xf32>, vector<16xi1>
        %mul3A_225 = arith.constant 32 : i32
        %mul3A_226 = vector.broadcast %mul3A_225 : i32 to vector<16xi32>
        %mul3A_227 = arith.muli %broadcast_in_dim3A_96, %mul3A_226 : vector<16xi32>
        %add3A_228 = arith.addi %mul3A_227, %add3A_210 : vector<16xi32>
        tpu.vector_store_idx %arg18[%add3A_228], %sub3A_187 masked %ge3A_212 : memref<8192xf32, #tpu.memory_space<vmem>>[vector<16xi32>], vector<16xf32>, vector<16xi1>
      } else {
      }
    }
    %scan3A_81 = arith.constant 256 : i32
    "tpu.region"() ({
      %run_scoped3A = tpu.sem_alloc : memref<!tpu.dma_semaphore, #tpu.memory_space<semaphore_mem>>
      %dma_start3A_95 = arith.constant 0 : i32
      %dma_start3A_96 = tpu.memref_slice %arg6[%add3A, %dma_start3A_95] : memref<32x8192xf32, #tpu.memory_space<hbm>> -> memref<1x8192xf32, #tpu.memory_space<hbm>>
      %dma_start3A_97 = tpu.memref_squeeze %dma_start3A_96 : memref<1x8192xf32, #tpu.memory_space<hbm>> -> memref<8192xf32, #tpu.memory_space<hbm>>
      %dma_start3A_98 = arith.constant 0 : i32
      %dma_start3A_99 = tpu.memref_slice %arg6[%add3A, %dma_start3A_98] : memref<32x8192xf32, #tpu.memory_space<hbm>> -> memref<1x8192xf32, #tpu.memory_space<hbm>>
      %dma_start3A_100 = tpu.memref_squeeze %dma_start3A_99 : memref<1x8192xf32, #tpu.memory_space<hbm>> -> memref<8192xf32, #tpu.memory_space<hbm>>
      tpu.enqueue_dma source(%arg16 : memref<8192xf32, #tpu.memory_space<vmem>>) target(%dma_start3A_100 : memref<8192xf32, #tpu.memory_space<hbm>>) target_semaphore(%run_scoped3A : memref<!tpu.dma_semaphore, #tpu.memory_space<semaphore_mem>>)
      %dma_wait3A = arith.constant 0 : i32
      %dma_wait3A_101 = tpu.memref_slice %arg6[%add3A, %dma_wait3A] : memref<32x8192xf32, #tpu.memory_space<hbm>> -> memref<1x8192xf32, #tpu.memory_space<hbm>>
      %dma_wait3A_102 = tpu.memref_squeeze %dma_wait3A_101 : memref<1x8192xf32, #tpu.memory_space<hbm>> -> memref<8192xf32, #tpu.memory_space<hbm>>
      %dma_wait3A_103 = arith.constant 0 : i32
      %dma_wait3A_104 = tpu.memref_slice %arg6[%add3A, %dma_wait3A_103] : memref<32x8192xf32, #tpu.memory_space<hbm>> -> memref<1x8192xf32, #tpu.memory_space<hbm>>
      %dma_wait3A_105 = tpu.memref_squeeze %dma_wait3A_104 : memref<1x8192xf32, #tpu.memory_space<hbm>> -> memref<8192xf32, #tpu.memory_space<hbm>>
      tpu.wait_dma2 semaphore(%run_scoped3A : memref<!tpu.dma_semaphore, #tpu.memory_space<semaphore_mem>>) src(%arg16 : memref<8192xf32, #tpu.memory_space<vmem>>) dst(%dma_wait3A_105 : memref<8192xf32, #tpu.memory_space<hbm>>)
      tpu.yield
    }) : () -> ()
    "tpu.region"() ({
      %run_scoped3A = tpu.sem_alloc : memref<!tpu.dma_semaphore, #tpu.memory_space<semaphore_mem>>
      %dma_start3A_95 = arith.constant 0 : i32
      %dma_start3A_96 = tpu.memref_slice %arg7[%add3A, %dma_start3A_95] : memref<32x8192xf32, #tpu.memory_space<hbm>> -> memref<1x8192xf32, #tpu.memory_space<hbm>>
      %dma_start3A_97 = tpu.memref_squeeze %dma_start3A_96 : memref<1x8192xf32, #tpu.memory_space<hbm>> -> memref<8192xf32, #tpu.memory_space<hbm>>
      %dma_start3A_98 = arith.constant 0 : i32
      %dma_start3A_99 = tpu.memref_slice %arg7[%add3A, %dma_start3A_98] : memref<32x8192xf32, #tpu.memory_space<hbm>> -> memref<1x8192xf32, #tpu.memory_space<hbm>>
      %dma_start3A_100 = tpu.memref_squeeze %dma_start3A_99 : memref<1x8192xf32, #tpu.memory_space<hbm>> -> memref<8192xf32, #tpu.memory_space<hbm>>
      tpu.enqueue_dma source(%arg17 : memref<8192xf32, #tpu.memory_space<vmem>>) target(%dma_start3A_100 : memref<8192xf32, #tpu.memory_space<hbm>>) target_semaphore(%run_scoped3A : memref<!tpu.dma_semaphore, #tpu.memory_space<semaphore_mem>>)
      %dma_wait3A = arith.constant 0 : i32
      %dma_wait3A_101 = tpu.memref_slice %arg7[%add3A, %dma_wait3A] : memref<32x8192xf32, #tpu.memory_space<hbm>> -> memref<1x8192xf32, #tpu.memory_space<hbm>>
      %dma_wait3A_102 = tpu.memref_squeeze %dma_wait3A_101 : memref<1x8192xf32, #tpu.memory_space<hbm>> -> memref<8192xf32, #tpu.memory_space<hbm>>
      %dma_wait3A_103 = arith.constant 0 : i32
      %dma_wait3A_104 = tpu.memref_slice %arg7[%add3A, %dma_wait3A_103] : memref<32x8192xf32, #tpu.memory_space<hbm>> -> memref<1x8192xf32, #tpu.memory_space<hbm>>
      %dma_wait3A_105 = tpu.memref_squeeze %dma_wait3A_104 : memref<1x8192xf32, #tpu.memory_space<hbm>> -> memref<8192xf32, #tpu.memory_space<hbm>>
      tpu.wait_dma2 semaphore(%run_scoped3A : memref<!tpu.dma_semaphore, #tpu.memory_space<semaphore_mem>>) src(%arg17 : memref<8192xf32, #tpu.memory_space<vmem>>) dst(%dma_wait3A_105 : memref<8192xf32, #tpu.memory_space<hbm>>)
      tpu.yield
    }) : () -> ()
    "tpu.region"() ({
      %run_scoped3A = tpu.sem_alloc : memref<!tpu.dma_semaphore, #tpu.memory_space<semaphore_mem>>
      %dma_start3A_95 = arith.constant 0 : i32
      %dma_start3A_96 = tpu.memref_slice %arg8[%add3A, %dma_start3A_95] : memref<32x8192xf32, #tpu.memory_space<hbm>> -> memref<1x8192xf32, #tpu.memory_space<hbm>>
      %dma_start3A_97 = tpu.memref_squeeze %dma_start3A_96 : memref<1x8192xf32, #tpu.memory_space<hbm>> -> memref<8192xf32, #tpu.memory_space<hbm>>
      %dma_start3A_98 = arith.constant 0 : i32
      %dma_start3A_99 = tpu.memref_slice %arg8[%add3A, %dma_start3A_98] : memref<32x8192xf32, #tpu.memory_space<hbm>> -> memref<1x8192xf32, #tpu.memory_space<hbm>>
      %dma_start3A_100 = tpu.memref_squeeze %dma_start3A_99 : memref<1x8192xf32, #tpu.memory_space<hbm>> -> memref<8192xf32, #tpu.memory_space<hbm>>
      tpu.enqueue_dma source(%arg18 : memref<8192xf32, #tpu.memory_space<vmem>>) target(%dma_start3A_100 : memref<8192xf32, #tpu.memory_space<hbm>>) target_semaphore(%run_scoped3A : memref<!tpu.dma_semaphore, #tpu.memory_space<semaphore_mem>>)
      %dma_wait3A = arith.constant 0 : i32
      %dma_wait3A_101 = tpu.memref_slice %arg8[%add3A, %dma_wait3A] : memref<32x8192xf32, #tpu.memory_space<hbm>> -> memref<1x8192xf32, #tpu.memory_space<hbm>>
      %dma_wait3A_102 = tpu.memref_squeeze %dma_wait3A_101 : memref<1x8192xf32, #tpu.memory_space<hbm>> -> memref<8192xf32, #tpu.memory_space<hbm>>
      %dma_wait3A_103 = arith.constant 0 : i32
      %dma_wait3A_104 = tpu.memref_slice %arg8[%add3A, %dma_wait3A_103] : memref<32x8192xf32, #tpu.memory_space<hbm>> -> memref<1x8192xf32, #tpu.memory_space<hbm>>
      %dma_wait3A_105 = tpu.memref_squeeze %dma_wait3A_104 : memref<1x8192xf32, #tpu.memory_space<hbm>> -> memref<8192xf32, #tpu.memory_space<hbm>>
      tpu.wait_dma2 semaphore(%run_scoped3A : memref<!tpu.dma_semaphore, #tpu.memory_space<semaphore_mem>>) src(%arg18 : memref<8192xf32, #tpu.memory_space<vmem>>) dst(%dma_wait3A_105 : memref<8192xf32, #tpu.memory_space<hbm>>)
      tpu.yield
    }) : () -> ()
    %mul3A_82 = arith.constant 8192 : i32
    %mul3A_83 = arith.muli %add3A, %mul3A_82 : i32
    %dma_start3A = arith.constant 0 : i32
    %dma_start3A_84 = tpu.memref_slice %arg15[%dma_start3A] : memref<8192xi32, #tpu.memory_space<vmem>> -> memref<128xi32, #tpu.memory_space<vmem>>
    %dma_start3A_85 = arith.constant 0 : i32
    %dma_start3A_86 = arith.constant 0 : i32
    %dma_start3A_87 = tpu.memref_slice %arg4[%dma_start3A_85, %dma_start3A_86] : memref<32768x64xf32, #tpu.memory_space<hbm>> -> memref<32768x64xf32, #tpu.memory_space<hbm>>
    tpu.enqueue_indirect_dma source(%dma_start3A_87 : memref<32768x64xf32, #tpu.memory_space<hbm>>) target(%arg19 : memref<128x64xf32, #tpu.memory_space<vmem>>) offsets(%dma_start3A_84 : memref<128xi32, #tpu.memory_space<vmem>>) semaphore(%arg21 : memref<!tpu.dma_semaphore, #tpu.memory_space<semaphore_mem>>)
    %scan3A_88 = arith.constant 0 : i32
    %scan3A_89 = arith.constant 0 : i32
    %scan3A_90 = arith.constant 64 : i32
    %scan3A_91 = arith.addi %scan3A_89, %scan3A_90 : i32
    %scan3A_92 = arith.constant 1 : i32
    %scan3A_93 = scf.for %scan3A_95 = %scan3A_89 to %scan3A_91 step %scan3A_92 iter_args(%scan3A_96 = %scan3A_88) -> (i32)  : i32 {
      %rem3A_97 = arith.constant 2 : i32
      %rem3A_98 = arith.remsi %scan3A_95, %rem3A_97 : i32
      %eq3A_99 = arith.constant 0 : i32
      %eq3A_100 = arith.cmpi eq, %rem3A_98, %eq3A_99 : i32
      %add3A_101 = arith.constant 1 : i32
      %add3A_102 = arith.addi %scan3A_95, %add3A_101 : i32
      %lt3A_103 = arith.constant 64 : i32
      %lt3A_104 = arith.cmpi slt, %add3A_102, %lt3A_103 : i32
      %convert_element_type3A = arith.extui %lt3A_104 : i1 to i32
      %cond3A = arith.constant 0 : i32
      %cond3A_105 = arith.cmpi ne, %convert_element_type3A, %cond3A : i32
      scf.if %cond3A_105 {
        %add3A_116 = arith.constant 1 : i32
        %add3A_117 = arith.addi %scan3A_95, %add3A_116 : i32
        %mul3A_118 = arith.constant 128 : i32
        %mul3A_119 = arith.muli %add3A_117, %mul3A_118 : i32
        %convert_element_type3A_120 = arith.extui %eq3A_100 : i1 to i32
        %cond3A_121 = arith.constant 0 : i32
        %cond3A_122 = arith.cmpi ne, %convert_element_type3A_120, %cond3A_121 : i32
        scf.if %cond3A_122 {
          %dma_start3A_128 = tpu.memref_slice %arg15[%mul3A_119] : memref<8192xi32, #tpu.memory_space<vmem>> -> memref<128xi32, #tpu.memory_space<vmem>>
          %dma_start3A_129 = arith.constant 0 : i32
          %dma_start3A_130 = arith.constant 0 : i32
          %dma_start3A_131 = tpu.memref_slice %arg4[%dma_start3A_129, %dma_start3A_130] : memref<32768x64xf32, #tpu.memory_space<hbm>> -> memref<32768x64xf32, #tpu.memory_space<hbm>>
          tpu.enqueue_indirect_dma source(%dma_start3A_131 : memref<32768x64xf32, #tpu.memory_space<hbm>>) target(%arg20 : memref<128x64xf32, #tpu.memory_space<vmem>>) offsets(%dma_start3A_128 : memref<128xi32, #tpu.memory_space<vmem>>) semaphore(%arg22 : memref<!tpu.dma_semaphore, #tpu.memory_space<semaphore_mem>>)
        } else {
        }
        %not3A_123 = arith.constant true
        %not3A_124 = arith.xori %eq3A_100, %not3A_123 : i1
        %convert_element_type3A_125 = arith.extui %not3A_124 : i1 to i32
        %cond3A_126 = arith.constant 0 : i32
        %cond3A_127 = arith.cmpi ne, %convert_element_type3A_125, %cond3A_126 : i32
        scf.if %cond3A_127 {
          %dma_start3A_128 = tpu.memref_slice %arg15[%mul3A_119] : memref<8192xi32, #tpu.memory_space<vmem>> -> memref<128xi32, #tpu.memory_space<vmem>>
          %dma_start3A_129 = arith.constant 0 : i32
          %dma_start3A_130 = arith.constant 0 : i32
          %dma_start3A_131 = tpu.memref_slice %arg4[%dma_start3A_129, %dma_start3A_130] : memref<32768x64xf32, #tpu.memory_space<hbm>> -> memref<32768x64xf32, #tpu.memory_space<hbm>>
          tpu.enqueue_indirect_dma source(%dma_start3A_131 : memref<32768x64xf32, #tpu.memory_space<hbm>>) target(%arg19 : memref<128x64xf32, #tpu.memory_space<vmem>>) offsets(%dma_start3A_128 : memref<128xi32, #tpu.memory_space<vmem>>) semaphore(%arg21 : memref<!tpu.dma_semaphore, #tpu.memory_space<semaphore_mem>>)
        } else {
        }
      } else {
      }
      %mul3A_106 = arith.constant 128 : i32
      %mul3A_107 = arith.muli %scan3A_95, %mul3A_106 : i32
      %convert_element_type3A_108 = arith.extui %eq3A_100 : i1 to i32
      %cond3A_109 = arith.constant 0 : i32
      %cond3A_110 = arith.cmpi ne, %convert_element_type3A_108, %cond3A_109 : i32
      scf.if %cond3A_110 {
        %dma_wait3A = tpu.memref_slice %arg15[%mul3A_107] : memref<8192xi32, #tpu.memory_space<vmem>> -> memref<128xi32, #tpu.memory_space<vmem>>
        %dma_wait3A_116 = arith.constant 0 : i32
        %dma_wait3A_117 = arith.constant 0 : i32
        %dma_wait3A_118 = tpu.memref_slice %arg4[%dma_wait3A_116, %dma_wait3A_117] : memref<32768x64xf32, #tpu.memory_space<hbm>> -> memref<32768x64xf32, #tpu.memory_space<hbm>>
        tpu.wait_indirect_dma semaphore(%arg21 : memref<!tpu.dma_semaphore, #tpu.memory_space<semaphore_mem>>) src(%dma_wait3A_118 : memref<32768x64xf32, #tpu.memory_space<hbm>>) dst(%arg19 : memref<128x64xf32, #tpu.memory_space<vmem>>)
        %mul3A_119 = arith.constant 128 : i32
        %mul3A_120 = arith.muli %scan3A_95, %mul3A_119 : i32
        %add3A_121 = arith.addi %mul3A_83, %mul3A_120 : i32
        "tpu.region"() ({
          %run_scoped3A = tpu.sem_alloc : memref<!tpu.dma_semaphore, #tpu.memory_space<semaphore_mem>>
          %dma_start3A_122 = arith.constant 0 : i32
          %dma_start3A_123 = tpu.memref_slice %arg5[%add3A_121, %dma_start3A_122] : memref<262144x64xf32, #tpu.memory_space<hbm>> -> memref<128x64xf32, #tpu.memory_space<hbm>>
          %dma_start3A_124 = arith.constant 0 : i32
          %dma_start3A_125 = tpu.memref_slice %arg5[%add3A_121, %dma_start3A_124] : memref<262144x64xf32, #tpu.memory_space<hbm>> -> memref<128x64xf32, #tpu.memory_space<hbm>>
          tpu.enqueue_dma source(%arg19 : memref<128x64xf32, #tpu.memory_space<vmem>>) target(%dma_start3A_125 : memref<128x64xf32, #tpu.memory_space<hbm>>) target_semaphore(%run_scoped3A : memref<!tpu.dma_semaphore, #tpu.memory_space<semaphore_mem>>)
          %dma_wait3A_126 = arith.constant 0 : i32
          %dma_wait3A_127 = tpu.memref_slice %arg5[%add3A_121, %dma_wait3A_126] : memref<262144x64xf32, #tpu.memory_space<hbm>> -> memref<128x64xf32, #tpu.memory_space<hbm>>
          %dma_wait3A_128 = arith.constant 0 : i32
          %dma_wait3A_129 = tpu.memref_slice %arg5[%add3A_121, %dma_wait3A_128] : memref<262144x64xf32, #tpu.memory_space<hbm>> -> memref<128x64xf32, #tpu.memory_space<hbm>>
          tpu.wait_dma2 semaphore(%run_scoped3A : memref<!tpu.dma_semaphore, #tpu.memory_space<semaphore_mem>>) src(%arg19 : memref<128x64xf32, #tpu.memory_space<vmem>>) dst(%dma_wait3A_129 : memref<128x64xf32, #tpu.memory_space<hbm>>)
          tpu.yield
        }) : () -> ()
      } else {
      }
      %not3A = arith.constant true
      %not3A_111 = arith.xori %eq3A_100, %not3A : i1
      %convert_element_type3A_112 = arith.extui %not3A_111 : i1 to i32
      %cond3A_113 = arith.constant 0 : i32
      %cond3A_114 = arith.cmpi ne, %convert_element_type3A_112, %cond3A_113 : i32
      scf.if %cond3A_114 {
        %dma_wait3A = tpu.memref_slice %arg15[%mul3A_107] : memref<8192xi32, #tpu.memory_space<vmem>> -> memref<128xi32, #tpu.memory_space<vmem>>
        %dma_wait3A_116 = arith.constant 0 : i32
        %dma_wait3A_117 = arith.constant 0 : i32
        %dma_wait3A_118 = tpu.memref_slice %arg4[%dma_wait3A_116, %dma_wait3A_117] : memref<32768x64xf32, #tpu.memory_space<hbm>> -> memref<32768x64xf32, #tpu.memory_space<hbm>>
        tpu.wait_indirect_dma semaphore(%arg22 : memref<!tpu.dma_semaphore, #tpu.memory_space<semaphore_mem>>) src(%dma_wait3A_118 : memref<32768x64xf32, #tpu.memory_space<hbm>>) dst(%arg20 : memref<128x64xf32, #tpu.memory_space<vmem>>)
        %mul3A_119 = arith.constant 128 : i32
        %mul3A_120 = arith.muli %scan3A_95, %mul3A_119 : i32
        %add3A_121 = arith.addi %mul3A_83, %mul3A_120 : i32
        "tpu.region"() ({
          %run_scoped3A = tpu.sem_alloc : memref<!tpu.dma_semaphore, #tpu.memory_space<semaphore_mem>>
          %dma_start3A_122 = arith.constant 0 : i32
          %dma_start3A_123 = tpu.memref_slice %arg5[%add3A_121, %dma_start3A_122] : memref<262144x64xf32, #tpu.memory_space<hbm>> -> memref<128x64xf32, #tpu.memory_space<hbm>>
          %dma_start3A_124 = arith.constant 0 : i32
          %dma_start3A_125 = tpu.memref_slice %arg5[%add3A_121, %dma_start3A_124] : memref<262144x64xf32, #tpu.memory_space<hbm>> -> memref<128x64xf32, #tpu.memory_space<hbm>>
          tpu.enqueue_dma source(%arg20 : memref<128x64xf32, #tpu.memory_space<vmem>>) target(%dma_start3A_125 : memref<128x64xf32, #tpu.memory_space<hbm>>) target_semaphore(%run_scoped3A : memref<!tpu.dma_semaphore, #tpu.memory_space<semaphore_mem>>)
          %dma_wait3A_126 = arith.constant 0 : i32
          %dma_wait3A_127 = tpu.memref_slice %arg5[%add3A_121, %dma_wait3A_126] : memref<262144x64xf32, #tpu.memory_space<hbm>> -> memref<128x64xf32, #tpu.memory_space<hbm>>
          %dma_wait3A_128 = arith.constant 0 : i32
          %dma_wait3A_129 = tpu.memref_slice %arg5[%add3A_121, %dma_wait3A_128] : memref<262144x64xf32, #tpu.memory_space<hbm>> -> memref<128x64xf32, #tpu.memory_space<hbm>>
          tpu.wait_dma2 semaphore(%run_scoped3A : memref<!tpu.dma_semaphore, #tpu.memory_space<semaphore_mem>>) src(%arg20 : memref<128x64xf32, #tpu.memory_space<vmem>>) dst(%dma_wait3A_129 : memref<128x64xf32, #tpu.memory_space<hbm>>)
          tpu.yield
        }) : () -> ()
      } else {
      }
      %scan3A_115 = arith.constant 0 : i32
      scf.yield %scan3A_115 : i32
    }
    %scan3A_94 = arith.constant 64 : i32
    return
  }
}

module attributes {stable_mosaic.version = 14 : i64} {
  func.func @body(%arg0: i32, %arg1: memref<8192x64xf32, #tpu.memory_space<vmem>>, %arg2: memref<256x32xf32, #tpu.memory_space<vmem>>, %arg3: memref<256x32xf32, #tpu.memory_space<vmem>>, %arg4: memref<256x32xf32, #tpu.memory_space<vmem>>, %arg5: memref<3x64xf32, #tpu.memory_space<vmem>>, %arg6: memref<64x64xf32, #tpu.memory_space<vmem>>, %arg7: memref<64x64xf32, #tpu.memory_space<vmem>>, %arg8: memref<64x128xf32, #tpu.memory_space<vmem>>, %arg9: memref<1x64xf32, #tpu.memory_space<vmem>>, %arg10: memref<1x64xf32, #tpu.memory_space<vmem>>, %arg11: memref<1x128xf32, #tpu.memory_space<vmem>>, %arg12: memref<256x128xf32, #tpu.memory_space<vmem>>) attributes {dimension_semantics = [#tpu.dimension_semantics<arbitrary>], iteration_bounds = array<i64: 32>, scalar_prefetch = 0 : i64, scratch_operands = 0 : i64, tpu.core_type = #tpu.core_type<tc>, window_params = [{transform_indices = @transform_0, window_bounds = array<i64: 8192, 64>}, {transform_indices = @transform_1, window_bounds = array<i64: 256, 32>}, {transform_indices = @transform_2, window_bounds = array<i64: 256, 32>}, {transform_indices = @transform_3, window_bounds = array<i64: 256, 32>}, {pipeline_mode = #tpu.pipeline_mode<synchronous>, transform_indices = @transform_4, window_bounds = array<i64: 3, 64>}, {pipeline_mode = #tpu.pipeline_mode<synchronous>, transform_indices = @transform_5, window_bounds = array<i64: 64, 64>}, {pipeline_mode = #tpu.pipeline_mode<synchronous>, transform_indices = @transform_6, window_bounds = array<i64: 64, 64>}, {pipeline_mode = #tpu.pipeline_mode<synchronous>, transform_indices = @transform_7, window_bounds = array<i64: 64, 128>}, {pipeline_mode = #tpu.pipeline_mode<synchronous>, transform_indices = @transform_8, window_bounds = array<i64: 1, 64>}, {pipeline_mode = #tpu.pipeline_mode<synchronous>, transform_indices = @transform_9, window_bounds = array<i64: 1, 64>}, {pipeline_mode = #tpu.pipeline_mode<synchronous>, transform_indices = @transform_10, window_bounds = array<i64: 1, 128>}, {transform_indices = @transform_11, window_bounds = array<i64: 256, 128>}]} {
    %get3A = arith.constant 0 : index
    %get3A_0 = arith.constant 0 : index
    %get3A_1 = vector.load %arg2[%get3A, %get3A_0] : memref<256x32xf32, #tpu.memory_space<vmem>>, vector<256x32xf32>
    %get3A_2 = arith.constant 0 : index
    %get3A_3 = arith.constant 0 : index
    %get3A_4 = vector.load %arg3[%get3A_2, %get3A_3] : memref<256x32xf32, #tpu.memory_space<vmem>>, vector<256x32xf32>
    %get3A_5 = arith.constant 0 : index
    %get3A_6 = arith.constant 0 : index
    %get3A_7 = vector.load %arg4[%get3A_5, %get3A_6] : memref<256x32xf32, #tpu.memory_space<vmem>>, vector<256x32xf32>
    %mul3A = arith.mulf %get3A_1, %get3A_1 : vector<256x32xf32>
    %mul3A_8 = arith.mulf %get3A_4, %get3A_4 : vector<256x32xf32>
    %add3A = arith.addf %mul3A, %mul3A_8 : vector<256x32xf32>
    %mul3A_9 = arith.mulf %get3A_7, %get3A_7 : vector<256x32xf32>
    %add3A_10 = arith.addf %add3A, %mul3A_9 : vector<256x32xf32>
    %sqrt3A = math.sqrt %add3A_10 : vector<256x32xf32>
    %add3A_11 = arith.constant 9.99999993E-9 : f32
    %add3A_12 = vector.broadcast %add3A_11 : f32 to vector<256x32xf32>
    %add3A_13 = arith.addf %sqrt3A, %add3A_12 : vector<256x32xf32>
    %div3A = arith.constant 1.000000e+00 : f32
    %div3A_14 = vector.broadcast %div3A : f32 to vector<256x32xf32>
    %div3A_15 = arith.divf %div3A_14, %add3A_13 : vector<256x32xf32>
    %reduce_sum3A = arith.constant dense<0.000000e+00> : vector<256xf32>
    %reduce_sum3A_16 = vector.multi_reduction <add>, %div3A_15, %reduce_sum3A [1] : vector<256x32xf32> to vector<256xf32>
    %broadcast_in_dim3A = vector.shape_cast %reduce_sum3A_16 : vector<256xf32> to vector<256x1xf32>
    %div3A_17 = vector.broadcast %broadcast_in_dim3A : vector<256x1xf32> to vector<256x32xf32>
    %div3A_18 = arith.divf %div3A_15, %div3A_17 : vector<256x32xf32>
    %get3A_19 = arith.constant 0 : index
    %get3A_20 = arith.constant 0 : index
    %get3A_21 = vector.load %arg5[%get3A_19, %get3A_20] : memref<3x64xf32, #tpu.memory_space<vmem>>, vector<3x64xf32>
    %get3A_22 = arith.constant 0 : index
    %get3A_23 = arith.constant 0 : index
    %get3A_24 = vector.load %arg6[%get3A_22, %get3A_23] : memref<64x64xf32, #tpu.memory_space<vmem>>, vector<64x64xf32>
    %get3A_25 = arith.constant 0 : index
    %get3A_26 = arith.constant 0 : index
    %get3A_27 = vector.load %arg7[%get3A_25, %get3A_26] : memref<64x64xf32, #tpu.memory_space<vmem>>, vector<64x64xf32>
    %get3A_28 = arith.constant 0 : index
    %get3A_29 = arith.constant 0 : index
    %get3A_30 = vector.load %arg8[%get3A_28, %get3A_29] : memref<64x128xf32, #tpu.memory_space<vmem>>, vector<64x128xf32>
    %get3A_31 = arith.constant 0 : index
    %get3A_32 = arith.constant 0 : index
    %get3A_33 = vector.load %arg9[%get3A_31, %get3A_32] : memref<1x64xf32, #tpu.memory_space<vmem>>, vector<1x64xf32>
    %get3A_34 = arith.constant 0 : index
    %get3A_35 = arith.constant 0 : index
    %get3A_36 = vector.load %arg10[%get3A_34, %get3A_35] : memref<1x64xf32, #tpu.memory_space<vmem>>, vector<1x64xf32>
    %get3A_37 = arith.constant 0 : index
    %get3A_38 = arith.constant 0 : index
    %get3A_39 = vector.load %arg11[%get3A_37, %get3A_38] : memref<1x128xf32, #tpu.memory_space<vmem>>, vector<1x128xf32>
    %slice3A = vector.extract_strided_slice %get3A_1 {offsets = [0, 0], sizes = [256, 1], strides = [1, 1]} : vector<256x32xf32> to vector<256x1xf32>
    %slice3A_40 = vector.extract_strided_slice %get3A_21 {offsets = [0, 0], sizes = [1, 64], strides = [1, 1]} : vector<3x64xf32> to vector<1x64xf32>
    %mul3A_41 = vector.broadcast %slice3A : vector<256x1xf32> to vector<256x64xf32>
    %mul3A_42 = vector.broadcast %slice3A_40 : vector<1x64xf32> to vector<256x64xf32>
    %mul3A_43 = arith.mulf %mul3A_41, %mul3A_42 : vector<256x64xf32>
    %slice3A_44 = vector.extract_strided_slice %get3A_4 {offsets = [0, 0], sizes = [256, 1], strides = [1, 1]} : vector<256x32xf32> to vector<256x1xf32>
    %slice3A_45 = vector.extract_strided_slice %get3A_21 {offsets = [1, 0], sizes = [1, 64], strides = [1, 1]} : vector<3x64xf32> to vector<1x64xf32>
    %mul3A_46 = vector.broadcast %slice3A_44 : vector<256x1xf32> to vector<256x64xf32>
    %mul3A_47 = vector.broadcast %slice3A_45 : vector<1x64xf32> to vector<256x64xf32>
    %mul3A_48 = arith.mulf %mul3A_46, %mul3A_47 : vector<256x64xf32>
    %add3A_49 = arith.addf %mul3A_43, %mul3A_48 : vector<256x64xf32>
    %slice3A_50 = vector.extract_strided_slice %get3A_7 {offsets = [0, 0], sizes = [256, 1], strides = [1, 1]} : vector<256x32xf32> to vector<256x1xf32>
    %slice3A_51 = vector.extract_strided_slice %get3A_21 {offsets = [2, 0], sizes = [1, 64], strides = [1, 1]} : vector<3x64xf32> to vector<1x64xf32>
    %mul3A_52 = vector.broadcast %slice3A_50 : vector<256x1xf32> to vector<256x64xf32>
    %mul3A_53 = vector.broadcast %slice3A_51 : vector<1x64xf32> to vector<256x64xf32>
    %mul3A_54 = arith.mulf %mul3A_52, %mul3A_53 : vector<256x64xf32>
    %add3A_55 = arith.addf %add3A_49, %mul3A_54 : vector<256x64xf32>
    %slice3A_56 = vector.extract_strided_slice %get3A_1 {offsets = [0, 1], sizes = [256, 1], strides = [1, 1]} : vector<256x32xf32> to vector<256x1xf32>
    %slice3A_57 = vector.extract_strided_slice %get3A_21 {offsets = [0, 0], sizes = [1, 64], strides = [1, 1]} : vector<3x64xf32> to vector<1x64xf32>
    %mul3A_58 = vector.broadcast %slice3A_56 : vector<256x1xf32> to vector<256x64xf32>
    %mul3A_59 = vector.broadcast %slice3A_57 : vector<1x64xf32> to vector<256x64xf32>
    %mul3A_60 = arith.mulf %mul3A_58, %mul3A_59 : vector<256x64xf32>
    %slice3A_61 = vector.extract_strided_slice %get3A_4 {offsets = [0, 1], sizes = [256, 1], strides = [1, 1]} : vector<256x32xf32> to vector<256x1xf32>
    %slice3A_62 = vector.extract_strided_slice %get3A_21 {offsets = [1, 0], sizes = [1, 64], strides = [1, 1]} : vector<3x64xf32> to vector<1x64xf32>
    %mul3A_63 = vector.broadcast %slice3A_61 : vector<256x1xf32> to vector<256x64xf32>
    %mul3A_64 = vector.broadcast %slice3A_62 : vector<1x64xf32> to vector<256x64xf32>
    %mul3A_65 = arith.mulf %mul3A_63, %mul3A_64 : vector<256x64xf32>
    %add3A_66 = arith.addf %mul3A_60, %mul3A_65 : vector<256x64xf32>
    %slice3A_67 = vector.extract_strided_slice %get3A_7 {offsets = [0, 1], sizes = [256, 1], strides = [1, 1]} : vector<256x32xf32> to vector<256x1xf32>
    %slice3A_68 = vector.extract_strided_slice %get3A_21 {offsets = [2, 0], sizes = [1, 64], strides = [1, 1]} : vector<3x64xf32> to vector<1x64xf32>
    %mul3A_69 = vector.broadcast %slice3A_67 : vector<256x1xf32> to vector<256x64xf32>
    %mul3A_70 = vector.broadcast %slice3A_68 : vector<1x64xf32> to vector<256x64xf32>
    %mul3A_71 = arith.mulf %mul3A_69, %mul3A_70 : vector<256x64xf32>
    %add3A_72 = arith.addf %add3A_66, %mul3A_71 : vector<256x64xf32>
    %slice3A_73 = vector.extract_strided_slice %get3A_1 {offsets = [0, 2], sizes = [256, 1], strides = [1, 1]} : vector<256x32xf32> to vector<256x1xf32>
    %slice3A_74 = vector.extract_strided_slice %get3A_21 {offsets = [0, 0], sizes = [1, 64], strides = [1, 1]} : vector<3x64xf32> to vector<1x64xf32>
    %mul3A_75 = vector.broadcast %slice3A_73 : vector<256x1xf32> to vector<256x64xf32>
    %mul3A_76 = vector.broadcast %slice3A_74 : vector<1x64xf32> to vector<256x64xf32>
    %mul3A_77 = arith.mulf %mul3A_75, %mul3A_76 : vector<256x64xf32>
    %slice3A_78 = vector.extract_strided_slice %get3A_4 {offsets = [0, 2], sizes = [256, 1], strides = [1, 1]} : vector<256x32xf32> to vector<256x1xf32>
    %slice3A_79 = vector.extract_strided_slice %get3A_21 {offsets = [1, 0], sizes = [1, 64], strides = [1, 1]} : vector<3x64xf32> to vector<1x64xf32>
    %mul3A_80 = vector.broadcast %slice3A_78 : vector<256x1xf32> to vector<256x64xf32>
    %mul3A_81 = vector.broadcast %slice3A_79 : vector<1x64xf32> to vector<256x64xf32>
    %mul3A_82 = arith.mulf %mul3A_80, %mul3A_81 : vector<256x64xf32>
    %add3A_83 = arith.addf %mul3A_77, %mul3A_82 : vector<256x64xf32>
    %slice3A_84 = vector.extract_strided_slice %get3A_7 {offsets = [0, 2], sizes = [256, 1], strides = [1, 1]} : vector<256x32xf32> to vector<256x1xf32>
    %slice3A_85 = vector.extract_strided_slice %get3A_21 {offsets = [2, 0], sizes = [1, 64], strides = [1, 1]} : vector<3x64xf32> to vector<1x64xf32>
    %mul3A_86 = vector.broadcast %slice3A_84 : vector<256x1xf32> to vector<256x64xf32>
    %mul3A_87 = vector.broadcast %slice3A_85 : vector<1x64xf32> to vector<256x64xf32>
    %mul3A_88 = arith.mulf %mul3A_86, %mul3A_87 : vector<256x64xf32>
    %add3A_89 = arith.addf %add3A_83, %mul3A_88 : vector<256x64xf32>
    %slice3A_90 = vector.extract_strided_slice %get3A_1 {offsets = [0, 3], sizes = [256, 1], strides = [1, 1]} : vector<256x32xf32> to vector<256x1xf32>
    %slice3A_91 = vector.extract_strided_slice %get3A_21 {offsets = [0, 0], sizes = [1, 64], strides = [1, 1]} : vector<3x64xf32> to vector<1x64xf32>
    %mul3A_92 = vector.broadcast %slice3A_90 : vector<256x1xf32> to vector<256x64xf32>
    %mul3A_93 = vector.broadcast %slice3A_91 : vector<1x64xf32> to vector<256x64xf32>
    %mul3A_94 = arith.mulf %mul3A_92, %mul3A_93 : vector<256x64xf32>
    %slice3A_95 = vector.extract_strided_slice %get3A_4 {offsets = [0, 3], sizes = [256, 1], strides = [1, 1]} : vector<256x32xf32> to vector<256x1xf32>
    %slice3A_96 = vector.extract_strided_slice %get3A_21 {offsets = [1, 0], sizes = [1, 64], strides = [1, 1]} : vector<3x64xf32> to vector<1x64xf32>
    %mul3A_97 = vector.broadcast %slice3A_95 : vector<256x1xf32> to vector<256x64xf32>
    %mul3A_98 = vector.broadcast %slice3A_96 : vector<1x64xf32> to vector<256x64xf32>
    %mul3A_99 = arith.mulf %mul3A_97, %mul3A_98 : vector<256x64xf32>
    %add3A_100 = arith.addf %mul3A_94, %mul3A_99 : vector<256x64xf32>
    %slice3A_101 = vector.extract_strided_slice %get3A_7 {offsets = [0, 3], sizes = [256, 1], strides = [1, 1]} : vector<256x32xf32> to vector<256x1xf32>
    %slice3A_102 = vector.extract_strided_slice %get3A_21 {offsets = [2, 0], sizes = [1, 64], strides = [1, 1]} : vector<3x64xf32> to vector<1x64xf32>
    %mul3A_103 = vector.broadcast %slice3A_101 : vector<256x1xf32> to vector<256x64xf32>
    %mul3A_104 = vector.broadcast %slice3A_102 : vector<1x64xf32> to vector<256x64xf32>
    %mul3A_105 = arith.mulf %mul3A_103, %mul3A_104 : vector<256x64xf32>
    %add3A_106 = arith.addf %add3A_100, %mul3A_105 : vector<256x64xf32>
    %slice3A_107 = vector.extract_strided_slice %get3A_1 {offsets = [0, 4], sizes = [256, 1], strides = [1, 1]} : vector<256x32xf32> to vector<256x1xf32>
    %slice3A_108 = vector.extract_strided_slice %get3A_21 {offsets = [0, 0], sizes = [1, 64], strides = [1, 1]} : vector<3x64xf32> to vector<1x64xf32>
    %mul3A_109 = vector.broadcast %slice3A_107 : vector<256x1xf32> to vector<256x64xf32>
    %mul3A_110 = vector.broadcast %slice3A_108 : vector<1x64xf32> to vector<256x64xf32>
    %mul3A_111 = arith.mulf %mul3A_109, %mul3A_110 : vector<256x64xf32>
    %slice3A_112 = vector.extract_strided_slice %get3A_4 {offsets = [0, 4], sizes = [256, 1], strides = [1, 1]} : vector<256x32xf32> to vector<256x1xf32>
    %slice3A_113 = vector.extract_strided_slice %get3A_21 {offsets = [1, 0], sizes = [1, 64], strides = [1, 1]} : vector<3x64xf32> to vector<1x64xf32>
    %mul3A_114 = vector.broadcast %slice3A_112 : vector<256x1xf32> to vector<256x64xf32>
    %mul3A_115 = vector.broadcast %slice3A_113 : vector<1x64xf32> to vector<256x64xf32>
    %mul3A_116 = arith.mulf %mul3A_114, %mul3A_115 : vector<256x64xf32>
    %add3A_117 = arith.addf %mul3A_111, %mul3A_116 : vector<256x64xf32>
    %slice3A_118 = vector.extract_strided_slice %get3A_7 {offsets = [0, 4], sizes = [256, 1], strides = [1, 1]} : vector<256x32xf32> to vector<256x1xf32>
    %slice3A_119 = vector.extract_strided_slice %get3A_21 {offsets = [2, 0], sizes = [1, 64], strides = [1, 1]} : vector<3x64xf32> to vector<1x64xf32>
    %mul3A_120 = vector.broadcast %slice3A_118 : vector<256x1xf32> to vector<256x64xf32>
    %mul3A_121 = vector.broadcast %slice3A_119 : vector<1x64xf32> to vector<256x64xf32>
    %mul3A_122 = arith.mulf %mul3A_120, %mul3A_121 : vector<256x64xf32>
    %add3A_123 = arith.addf %add3A_117, %mul3A_122 : vector<256x64xf32>
    %slice3A_124 = vector.extract_strided_slice %get3A_1 {offsets = [0, 5], sizes = [256, 1], strides = [1, 1]} : vector<256x32xf32> to vector<256x1xf32>
    %slice3A_125 = vector.extract_strided_slice %get3A_21 {offsets = [0, 0], sizes = [1, 64], strides = [1, 1]} : vector<3x64xf32> to vector<1x64xf32>
    %mul3A_126 = vector.broadcast %slice3A_124 : vector<256x1xf32> to vector<256x64xf32>
    %mul3A_127 = vector.broadcast %slice3A_125 : vector<1x64xf32> to vector<256x64xf32>
    %mul3A_128 = arith.mulf %mul3A_126, %mul3A_127 : vector<256x64xf32>
    %slice3A_129 = vector.extract_strided_slice %get3A_4 {offsets = [0, 5], sizes = [256, 1], strides = [1, 1]} : vector<256x32xf32> to vector<256x1xf32>
    %slice3A_130 = vector.extract_strided_slice %get3A_21 {offsets = [1, 0], sizes = [1, 64], strides = [1, 1]} : vector<3x64xf32> to vector<1x64xf32>
    %mul3A_131 = vector.broadcast %slice3A_129 : vector<256x1xf32> to vector<256x64xf32>
    %mul3A_132 = vector.broadcast %slice3A_130 : vector<1x64xf32> to vector<256x64xf32>
    %mul3A_133 = arith.mulf %mul3A_131, %mul3A_132 : vector<256x64xf32>
    %add3A_134 = arith.addf %mul3A_128, %mul3A_133 : vector<256x64xf32>
    %slice3A_135 = vector.extract_strided_slice %get3A_7 {offsets = [0, 5], sizes = [256, 1], strides = [1, 1]} : vector<256x32xf32> to vector<256x1xf32>
    %slice3A_136 = vector.extract_strided_slice %get3A_21 {offsets = [2, 0], sizes = [1, 64], strides = [1, 1]} : vector<3x64xf32> to vector<1x64xf32>
    %mul3A_137 = vector.broadcast %slice3A_135 : vector<256x1xf32> to vector<256x64xf32>
    %mul3A_138 = vector.broadcast %slice3A_136 : vector<1x64xf32> to vector<256x64xf32>
    %mul3A_139 = arith.mulf %mul3A_137, %mul3A_138 : vector<256x64xf32>
    %add3A_140 = arith.addf %add3A_134, %mul3A_139 : vector<256x64xf32>
    %slice3A_141 = vector.extract_strided_slice %get3A_1 {offsets = [0, 6], sizes = [256, 1], strides = [1, 1]} : vector<256x32xf32> to vector<256x1xf32>
    %slice3A_142 = vector.extract_strided_slice %get3A_21 {offsets = [0, 0], sizes = [1, 64], strides = [1, 1]} : vector<3x64xf32> to vector<1x64xf32>
    %mul3A_143 = vector.broadcast %slice3A_141 : vector<256x1xf32> to vector<256x64xf32>
    %mul3A_144 = vector.broadcast %slice3A_142 : vector<1x64xf32> to vector<256x64xf32>
    %mul3A_145 = arith.mulf %mul3A_143, %mul3A_144 : vector<256x64xf32>
    %slice3A_146 = vector.extract_strided_slice %get3A_4 {offsets = [0, 6], sizes = [256, 1], strides = [1, 1]} : vector<256x32xf32> to vector<256x1xf32>
    %slice3A_147 = vector.extract_strided_slice %get3A_21 {offsets = [1, 0], sizes = [1, 64], strides = [1, 1]} : vector<3x64xf32> to vector<1x64xf32>
    %mul3A_148 = vector.broadcast %slice3A_146 : vector<256x1xf32> to vector<256x64xf32>
    %mul3A_149 = vector.broadcast %slice3A_147 : vector<1x64xf32> to vector<256x64xf32>
    %mul3A_150 = arith.mulf %mul3A_148, %mul3A_149 : vector<256x64xf32>
    %add3A_151 = arith.addf %mul3A_145, %mul3A_150 : vector<256x64xf32>
    %slice3A_152 = vector.extract_strided_slice %get3A_7 {offsets = [0, 6], sizes = [256, 1], strides = [1, 1]} : vector<256x32xf32> to vector<256x1xf32>
    %slice3A_153 = vector.extract_strided_slice %get3A_21 {offsets = [2, 0], sizes = [1, 64], strides = [1, 1]} : vector<3x64xf32> to vector<1x64xf32>
    %mul3A_154 = vector.broadcast %slice3A_152 : vector<256x1xf32> to vector<256x64xf32>
    %mul3A_155 = vector.broadcast %slice3A_153 : vector<1x64xf32> to vector<256x64xf32>
    %mul3A_156 = arith.mulf %mul3A_154, %mul3A_155 : vector<256x64xf32>
    %add3A_157 = arith.addf %add3A_151, %mul3A_156 : vector<256x64xf32>
    %slice3A_158 = vector.extract_strided_slice %get3A_1 {offsets = [0, 7], sizes = [256, 1], strides = [1, 1]} : vector<256x32xf32> to vector<256x1xf32>
    %slice3A_159 = vector.extract_strided_slice %get3A_21 {offsets = [0, 0], sizes = [1, 64], strides = [1, 1]} : vector<3x64xf32> to vector<1x64xf32>
    %mul3A_160 = vector.broadcast %slice3A_158 : vector<256x1xf32> to vector<256x64xf32>
    %mul3A_161 = vector.broadcast %slice3A_159 : vector<1x64xf32> to vector<256x64xf32>
    %mul3A_162 = arith.mulf %mul3A_160, %mul3A_161 : vector<256x64xf32>
    %slice3A_163 = vector.extract_strided_slice %get3A_4 {offsets = [0, 7], sizes = [256, 1], strides = [1, 1]} : vector<256x32xf32> to vector<256x1xf32>
    %slice3A_164 = vector.extract_strided_slice %get3A_21 {offsets = [1, 0], sizes = [1, 64], strides = [1, 1]} : vector<3x64xf32> to vector<1x64xf32>
    %mul3A_165 = vector.broadcast %slice3A_163 : vector<256x1xf32> to vector<256x64xf32>
    %mul3A_166 = vector.broadcast %slice3A_164 : vector<1x64xf32> to vector<256x64xf32>
    %mul3A_167 = arith.mulf %mul3A_165, %mul3A_166 : vector<256x64xf32>
    %add3A_168 = arith.addf %mul3A_162, %mul3A_167 : vector<256x64xf32>
    %slice3A_169 = vector.extract_strided_slice %get3A_7 {offsets = [0, 7], sizes = [256, 1], strides = [1, 1]} : vector<256x32xf32> to vector<256x1xf32>
    %slice3A_170 = vector.extract_strided_slice %get3A_21 {offsets = [2, 0], sizes = [1, 64], strides = [1, 1]} : vector<3x64xf32> to vector<1x64xf32>
    %mul3A_171 = vector.broadcast %slice3A_169 : vector<256x1xf32> to vector<256x64xf32>
    %mul3A_172 = vector.broadcast %slice3A_170 : vector<1x64xf32> to vector<256x64xf32>
    %mul3A_173 = arith.mulf %mul3A_171, %mul3A_172 : vector<256x64xf32>
    %add3A_174 = arith.addf %add3A_168, %mul3A_173 : vector<256x64xf32>
    %slice3A_175 = vector.extract_strided_slice %get3A_1 {offsets = [0, 8], sizes = [256, 1], strides = [1, 1]} : vector<256x32xf32> to vector<256x1xf32>
    %slice3A_176 = vector.extract_strided_slice %get3A_21 {offsets = [0, 0], sizes = [1, 64], strides = [1, 1]} : vector<3x64xf32> to vector<1x64xf32>
    %mul3A_177 = vector.broadcast %slice3A_175 : vector<256x1xf32> to vector<256x64xf32>
    %mul3A_178 = vector.broadcast %slice3A_176 : vector<1x64xf32> to vector<256x64xf32>
    %mul3A_179 = arith.mulf %mul3A_177, %mul3A_178 : vector<256x64xf32>
    %slice3A_180 = vector.extract_strided_slice %get3A_4 {offsets = [0, 8], sizes = [256, 1], strides = [1, 1]} : vector<256x32xf32> to vector<256x1xf32>
    %slice3A_181 = vector.extract_strided_slice %get3A_21 {offsets = [1, 0], sizes = [1, 64], strides = [1, 1]} : vector<3x64xf32> to vector<1x64xf32>
    %mul3A_182 = vector.broadcast %slice3A_180 : vector<256x1xf32> to vector<256x64xf32>
    %mul3A_183 = vector.broadcast %slice3A_181 : vector<1x64xf32> to vector<256x64xf32>
    %mul3A_184 = arith.mulf %mul3A_182, %mul3A_183 : vector<256x64xf32>
    %add3A_185 = arith.addf %mul3A_179, %mul3A_184 : vector<256x64xf32>
    %slice3A_186 = vector.extract_strided_slice %get3A_7 {offsets = [0, 8], sizes = [256, 1], strides = [1, 1]} : vector<256x32xf32> to vector<256x1xf32>
    %slice3A_187 = vector.extract_strided_slice %get3A_21 {offsets = [2, 0], sizes = [1, 64], strides = [1, 1]} : vector<3x64xf32> to vector<1x64xf32>
    %mul3A_188 = vector.broadcast %slice3A_186 : vector<256x1xf32> to vector<256x64xf32>
    %mul3A_189 = vector.broadcast %slice3A_187 : vector<1x64xf32> to vector<256x64xf32>
    %mul3A_190 = arith.mulf %mul3A_188, %mul3A_189 : vector<256x64xf32>
    %add3A_191 = arith.addf %add3A_185, %mul3A_190 : vector<256x64xf32>
    %slice3A_192 = vector.extract_strided_slice %get3A_1 {offsets = [0, 9], sizes = [256, 1], strides = [1, 1]} : vector<256x32xf32> to vector<256x1xf32>
    %slice3A_193 = vector.extract_strided_slice %get3A_21 {offsets = [0, 0], sizes = [1, 64], strides = [1, 1]} : vector<3x64xf32> to vector<1x64xf32>
    %mul3A_194 = vector.broadcast %slice3A_192 : vector<256x1xf32> to vector<256x64xf32>
    %mul3A_195 = vector.broadcast %slice3A_193 : vector<1x64xf32> to vector<256x64xf32>
    %mul3A_196 = arith.mulf %mul3A_194, %mul3A_195 : vector<256x64xf32>
    %slice3A_197 = vector.extract_strided_slice %get3A_4 {offsets = [0, 9], sizes = [256, 1], strides = [1, 1]} : vector<256x32xf32> to vector<256x1xf32>
    %slice3A_198 = vector.extract_strided_slice %get3A_21 {offsets = [1, 0], sizes = [1, 64], strides = [1, 1]} : vector<3x64xf32> to vector<1x64xf32>
    %mul3A_199 = vector.broadcast %slice3A_197 : vector<256x1xf32> to vector<256x64xf32>
    %mul3A_200 = vector.broadcast %slice3A_198 : vector<1x64xf32> to vector<256x64xf32>
    %mul3A_201 = arith.mulf %mul3A_199, %mul3A_200 : vector<256x64xf32>
    %add3A_202 = arith.addf %mul3A_196, %mul3A_201 : vector<256x64xf32>
    %slice3A_203 = vector.extract_strided_slice %get3A_7 {offsets = [0, 9], sizes = [256, 1], strides = [1, 1]} : vector<256x32xf32> to vector<256x1xf32>
    %slice3A_204 = vector.extract_strided_slice %get3A_21 {offsets = [2, 0], sizes = [1, 64], strides = [1, 1]} : vector<3x64xf32> to vector<1x64xf32>
    %mul3A_205 = vector.broadcast %slice3A_203 : vector<256x1xf32> to vector<256x64xf32>
    %mul3A_206 = vector.broadcast %slice3A_204 : vector<1x64xf32> to vector<256x64xf32>
    %mul3A_207 = arith.mulf %mul3A_205, %mul3A_206 : vector<256x64xf32>
    %add3A_208 = arith.addf %add3A_202, %mul3A_207 : vector<256x64xf32>
    %slice3A_209 = vector.extract_strided_slice %get3A_1 {offsets = [0, 10], sizes = [256, 1], strides = [1, 1]} : vector<256x32xf32> to vector<256x1xf32>
    %slice3A_210 = vector.extract_strided_slice %get3A_21 {offsets = [0, 0], sizes = [1, 64], strides = [1, 1]} : vector<3x64xf32> to vector<1x64xf32>
    %mul3A_211 = vector.broadcast %slice3A_209 : vector<256x1xf32> to vector<256x64xf32>
    %mul3A_212 = vector.broadcast %slice3A_210 : vector<1x64xf32> to vector<256x64xf32>
    %mul3A_213 = arith.mulf %mul3A_211, %mul3A_212 : vector<256x64xf32>
    %slice3A_214 = vector.extract_strided_slice %get3A_4 {offsets = [0, 10], sizes = [256, 1], strides = [1, 1]} : vector<256x32xf32> to vector<256x1xf32>
    %slice3A_215 = vector.extract_strided_slice %get3A_21 {offsets = [1, 0], sizes = [1, 64], strides = [1, 1]} : vector<3x64xf32> to vector<1x64xf32>
    %mul3A_216 = vector.broadcast %slice3A_214 : vector<256x1xf32> to vector<256x64xf32>
    %mul3A_217 = vector.broadcast %slice3A_215 : vector<1x64xf32> to vector<256x64xf32>
    %mul3A_218 = arith.mulf %mul3A_216, %mul3A_217 : vector<256x64xf32>
    %add3A_219 = arith.addf %mul3A_213, %mul3A_218 : vector<256x64xf32>
    %slice3A_220 = vector.extract_strided_slice %get3A_7 {offsets = [0, 10], sizes = [256, 1], strides = [1, 1]} : vector<256x32xf32> to vector<256x1xf32>
    %slice3A_221 = vector.extract_strided_slice %get3A_21 {offsets = [2, 0], sizes = [1, 64], strides = [1, 1]} : vector<3x64xf32> to vector<1x64xf32>
    %mul3A_222 = vector.broadcast %slice3A_220 : vector<256x1xf32> to vector<256x64xf32>
    %mul3A_223 = vector.broadcast %slice3A_221 : vector<1x64xf32> to vector<256x64xf32>
    %mul3A_224 = arith.mulf %mul3A_222, %mul3A_223 : vector<256x64xf32>
    %add3A_225 = arith.addf %add3A_219, %mul3A_224 : vector<256x64xf32>
    %slice3A_226 = vector.extract_strided_slice %get3A_1 {offsets = [0, 11], sizes = [256, 1], strides = [1, 1]} : vector<256x32xf32> to vector<256x1xf32>
    %slice3A_227 = vector.extract_strided_slice %get3A_21 {offsets = [0, 0], sizes = [1, 64], strides = [1, 1]} : vector<3x64xf32> to vector<1x64xf32>
    %mul3A_228 = vector.broadcast %slice3A_226 : vector<256x1xf32> to vector<256x64xf32>
    %mul3A_229 = vector.broadcast %slice3A_227 : vector<1x64xf32> to vector<256x64xf32>
    %mul3A_230 = arith.mulf %mul3A_228, %mul3A_229 : vector<256x64xf32>
    %slice3A_231 = vector.extract_strided_slice %get3A_4 {offsets = [0, 11], sizes = [256, 1], strides = [1, 1]} : vector<256x32xf32> to vector<256x1xf32>
    %slice3A_232 = vector.extract_strided_slice %get3A_21 {offsets = [1, 0], sizes = [1, 64], strides = [1, 1]} : vector<3x64xf32> to vector<1x64xf32>
    %mul3A_233 = vector.broadcast %slice3A_231 : vector<256x1xf32> to vector<256x64xf32>
    %mul3A_234 = vector.broadcast %slice3A_232 : vector<1x64xf32> to vector<256x64xf32>
    %mul3A_235 = arith.mulf %mul3A_233, %mul3A_234 : vector<256x64xf32>
    %add3A_236 = arith.addf %mul3A_230, %mul3A_235 : vector<256x64xf32>
    %slice3A_237 = vector.extract_strided_slice %get3A_7 {offsets = [0, 11], sizes = [256, 1], strides = [1, 1]} : vector<256x32xf32> to vector<256x1xf32>
    %slice3A_238 = vector.extract_strided_slice %get3A_21 {offsets = [2, 0], sizes = [1, 64], strides = [1, 1]} : vector<3x64xf32> to vector<1x64xf32>
    %mul3A_239 = vector.broadcast %slice3A_237 : vector<256x1xf32> to vector<256x64xf32>
    %mul3A_240 = vector.broadcast %slice3A_238 : vector<1x64xf32> to vector<256x64xf32>
    %mul3A_241 = arith.mulf %mul3A_239, %mul3A_240 : vector<256x64xf32>
    %add3A_242 = arith.addf %add3A_236, %mul3A_241 : vector<256x64xf32>
    %slice3A_243 = vector.extract_strided_slice %get3A_1 {offsets = [0, 12], sizes = [256, 1], strides = [1, 1]} : vector<256x32xf32> to vector<256x1xf32>
    %slice3A_244 = vector.extract_strided_slice %get3A_21 {offsets = [0, 0], sizes = [1, 64], strides = [1, 1]} : vector<3x64xf32> to vector<1x64xf32>
    %mul3A_245 = vector.broadcast %slice3A_243 : vector<256x1xf32> to vector<256x64xf32>
    %mul3A_246 = vector.broadcast %slice3A_244 : vector<1x64xf32> to vector<256x64xf32>
    %mul3A_247 = arith.mulf %mul3A_245, %mul3A_246 : vector<256x64xf32>
    %slice3A_248 = vector.extract_strided_slice %get3A_4 {offsets = [0, 12], sizes = [256, 1], strides = [1, 1]} : vector<256x32xf32> to vector<256x1xf32>
    %slice3A_249 = vector.extract_strided_slice %get3A_21 {offsets = [1, 0], sizes = [1, 64], strides = [1, 1]} : vector<3x64xf32> to vector<1x64xf32>
    %mul3A_250 = vector.broadcast %slice3A_248 : vector<256x1xf32> to vector<256x64xf32>
    %mul3A_251 = vector.broadcast %slice3A_249 : vector<1x64xf32> to vector<256x64xf32>
    %mul3A_252 = arith.mulf %mul3A_250, %mul3A_251 : vector<256x64xf32>
    %add3A_253 = arith.addf %mul3A_247, %mul3A_252 : vector<256x64xf32>
    %slice3A_254 = vector.extract_strided_slice %get3A_7 {offsets = [0, 12], sizes = [256, 1], strides = [1, 1]} : vector<256x32xf32> to vector<256x1xf32>
    %slice3A_255 = vector.extract_strided_slice %get3A_21 {offsets = [2, 0], sizes = [1, 64], strides = [1, 1]} : vector<3x64xf32> to vector<1x64xf32>
    %mul3A_256 = vector.broadcast %slice3A_254 : vector<256x1xf32> to vector<256x64xf32>
    %mul3A_257 = vector.broadcast %slice3A_255 : vector<1x64xf32> to vector<256x64xf32>
    %mul3A_258 = arith.mulf %mul3A_256, %mul3A_257 : vector<256x64xf32>
    %add3A_259 = arith.addf %add3A_253, %mul3A_258 : vector<256x64xf32>
    %slice3A_260 = vector.extract_strided_slice %get3A_1 {offsets = [0, 13], sizes = [256, 1], strides = [1, 1]} : vector<256x32xf32> to vector<256x1xf32>
    %slice3A_261 = vector.extract_strided_slice %get3A_21 {offsets = [0, 0], sizes = [1, 64], strides = [1, 1]} : vector<3x64xf32> to vector<1x64xf32>
    %mul3A_262 = vector.broadcast %slice3A_260 : vector<256x1xf32> to vector<256x64xf32>
    %mul3A_263 = vector.broadcast %slice3A_261 : vector<1x64xf32> to vector<256x64xf32>
    %mul3A_264 = arith.mulf %mul3A_262, %mul3A_263 : vector<256x64xf32>
    %slice3A_265 = vector.extract_strided_slice %get3A_4 {offsets = [0, 13], sizes = [256, 1], strides = [1, 1]} : vector<256x32xf32> to vector<256x1xf32>
    %slice3A_266 = vector.extract_strided_slice %get3A_21 {offsets = [1, 0], sizes = [1, 64], strides = [1, 1]} : vector<3x64xf32> to vector<1x64xf32>
    %mul3A_267 = vector.broadcast %slice3A_265 : vector<256x1xf32> to vector<256x64xf32>
    %mul3A_268 = vector.broadcast %slice3A_266 : vector<1x64xf32> to vector<256x64xf32>
    %mul3A_269 = arith.mulf %mul3A_267, %mul3A_268 : vector<256x64xf32>
    %add3A_270 = arith.addf %mul3A_264, %mul3A_269 : vector<256x64xf32>
    %slice3A_271 = vector.extract_strided_slice %get3A_7 {offsets = [0, 13], sizes = [256, 1], strides = [1, 1]} : vector<256x32xf32> to vector<256x1xf32>
    %slice3A_272 = vector.extract_strided_slice %get3A_21 {offsets = [2, 0], sizes = [1, 64], strides = [1, 1]} : vector<3x64xf32> to vector<1x64xf32>
    %mul3A_273 = vector.broadcast %slice3A_271 : vector<256x1xf32> to vector<256x64xf32>
    %mul3A_274 = vector.broadcast %slice3A_272 : vector<1x64xf32> to vector<256x64xf32>
    %mul3A_275 = arith.mulf %mul3A_273, %mul3A_274 : vector<256x64xf32>
    %add3A_276 = arith.addf %add3A_270, %mul3A_275 : vector<256x64xf32>
    %slice3A_277 = vector.extract_strided_slice %get3A_1 {offsets = [0, 14], sizes = [256, 1], strides = [1, 1]} : vector<256x32xf32> to vector<256x1xf32>
    %slice3A_278 = vector.extract_strided_slice %get3A_21 {offsets = [0, 0], sizes = [1, 64], strides = [1, 1]} : vector<3x64xf32> to vector<1x64xf32>
    %mul3A_279 = vector.broadcast %slice3A_277 : vector<256x1xf32> to vector<256x64xf32>
    %mul3A_280 = vector.broadcast %slice3A_278 : vector<1x64xf32> to vector<256x64xf32>
    %mul3A_281 = arith.mulf %mul3A_279, %mul3A_280 : vector<256x64xf32>
    %slice3A_282 = vector.extract_strided_slice %get3A_4 {offsets = [0, 14], sizes = [256, 1], strides = [1, 1]} : vector<256x32xf32> to vector<256x1xf32>
    %slice3A_283 = vector.extract_strided_slice %get3A_21 {offsets = [1, 0], sizes = [1, 64], strides = [1, 1]} : vector<3x64xf32> to vector<1x64xf32>
    %mul3A_284 = vector.broadcast %slice3A_282 : vector<256x1xf32> to vector<256x64xf32>
    %mul3A_285 = vector.broadcast %slice3A_283 : vector<1x64xf32> to vector<256x64xf32>
    %mul3A_286 = arith.mulf %mul3A_284, %mul3A_285 : vector<256x64xf32>
    %add3A_287 = arith.addf %mul3A_281, %mul3A_286 : vector<256x64xf32>
    %slice3A_288 = vector.extract_strided_slice %get3A_7 {offsets = [0, 14], sizes = [256, 1], strides = [1, 1]} : vector<256x32xf32> to vector<256x1xf32>
    %slice3A_289 = vector.extract_strided_slice %get3A_21 {offsets = [2, 0], sizes = [1, 64], strides = [1, 1]} : vector<3x64xf32> to vector<1x64xf32>
    %mul3A_290 = vector.broadcast %slice3A_288 : vector<256x1xf32> to vector<256x64xf32>
    %mul3A_291 = vector.broadcast %slice3A_289 : vector<1x64xf32> to vector<256x64xf32>
    %mul3A_292 = arith.mulf %mul3A_290, %mul3A_291 : vector<256x64xf32>
    %add3A_293 = arith.addf %add3A_287, %mul3A_292 : vector<256x64xf32>
    %slice3A_294 = vector.extract_strided_slice %get3A_1 {offsets = [0, 15], sizes = [256, 1], strides = [1, 1]} : vector<256x32xf32> to vector<256x1xf32>
    %slice3A_295 = vector.extract_strided_slice %get3A_21 {offsets = [0, 0], sizes = [1, 64], strides = [1, 1]} : vector<3x64xf32> to vector<1x64xf32>
    %mul3A_296 = vector.broadcast %slice3A_294 : vector<256x1xf32> to vector<256x64xf32>
    %mul3A_297 = vector.broadcast %slice3A_295 : vector<1x64xf32> to vector<256x64xf32>
    %mul3A_298 = arith.mulf %mul3A_296, %mul3A_297 : vector<256x64xf32>
    %slice3A_299 = vector.extract_strided_slice %get3A_4 {offsets = [0, 15], sizes = [256, 1], strides = [1, 1]} : vector<256x32xf32> to vector<256x1xf32>
    %slice3A_300 = vector.extract_strided_slice %get3A_21 {offsets = [1, 0], sizes = [1, 64], strides = [1, 1]} : vector<3x64xf32> to vector<1x64xf32>
    %mul3A_301 = vector.broadcast %slice3A_299 : vector<256x1xf32> to vector<256x64xf32>
    %mul3A_302 = vector.broadcast %slice3A_300 : vector<1x64xf32> to vector<256x64xf32>
    %mul3A_303 = arith.mulf %mul3A_301, %mul3A_302 : vector<256x64xf32>
    %add3A_304 = arith.addf %mul3A_298, %mul3A_303 : vector<256x64xf32>
    %slice3A_305 = vector.extract_strided_slice %get3A_7 {offsets = [0, 15], sizes = [256, 1], strides = [1, 1]} : vector<256x32xf32> to vector<256x1xf32>
    %slice3A_306 = vector.extract_strided_slice %get3A_21 {offsets = [2, 0], sizes = [1, 64], strides = [1, 1]} : vector<3x64xf32> to vector<1x64xf32>
    %mul3A_307 = vector.broadcast %slice3A_305 : vector<256x1xf32> to vector<256x64xf32>
    %mul3A_308 = vector.broadcast %slice3A_306 : vector<1x64xf32> to vector<256x64xf32>
    %mul3A_309 = arith.mulf %mul3A_307, %mul3A_308 : vector<256x64xf32>
    %add3A_310 = arith.addf %add3A_304, %mul3A_309 : vector<256x64xf32>
    %slice3A_311 = vector.extract_strided_slice %get3A_1 {offsets = [0, 16], sizes = [256, 1], strides = [1, 1]} : vector<256x32xf32> to vector<256x1xf32>
    %slice3A_312 = vector.extract_strided_slice %get3A_21 {offsets = [0, 0], sizes = [1, 64], strides = [1, 1]} : vector<3x64xf32> to vector<1x64xf32>
    %mul3A_313 = vector.broadcast %slice3A_311 : vector<256x1xf32> to vector<256x64xf32>
    %mul3A_314 = vector.broadcast %slice3A_312 : vector<1x64xf32> to vector<256x64xf32>
    %mul3A_315 = arith.mulf %mul3A_313, %mul3A_314 : vector<256x64xf32>
    %slice3A_316 = vector.extract_strided_slice %get3A_4 {offsets = [0, 16], sizes = [256, 1], strides = [1, 1]} : vector<256x32xf32> to vector<256x1xf32>
    %slice3A_317 = vector.extract_strided_slice %get3A_21 {offsets = [1, 0], sizes = [1, 64], strides = [1, 1]} : vector<3x64xf32> to vector<1x64xf32>
    %mul3A_318 = vector.broadcast %slice3A_316 : vector<256x1xf32> to vector<256x64xf32>
    %mul3A_319 = vector.broadcast %slice3A_317 : vector<1x64xf32> to vector<256x64xf32>
    %mul3A_320 = arith.mulf %mul3A_318, %mul3A_319 : vector<256x64xf32>
    %add3A_321 = arith.addf %mul3A_315, %mul3A_320 : vector<256x64xf32>
    %slice3A_322 = vector.extract_strided_slice %get3A_7 {offsets = [0, 16], sizes = [256, 1], strides = [1, 1]} : vector<256x32xf32> to vector<256x1xf32>
    %slice3A_323 = vector.extract_strided_slice %get3A_21 {offsets = [2, 0], sizes = [1, 64], strides = [1, 1]} : vector<3x64xf32> to vector<1x64xf32>
    %mul3A_324 = vector.broadcast %slice3A_322 : vector<256x1xf32> to vector<256x64xf32>
    %mul3A_325 = vector.broadcast %slice3A_323 : vector<1x64xf32> to vector<256x64xf32>
    %mul3A_326 = arith.mulf %mul3A_324, %mul3A_325 : vector<256x64xf32>
    %add3A_327 = arith.addf %add3A_321, %mul3A_326 : vector<256x64xf32>
    %slice3A_328 = vector.extract_strided_slice %get3A_1 {offsets = [0, 17], sizes = [256, 1], strides = [1, 1]} : vector<256x32xf32> to vector<256x1xf32>
    %slice3A_329 = vector.extract_strided_slice %get3A_21 {offsets = [0, 0], sizes = [1, 64], strides = [1, 1]} : vector<3x64xf32> to vector<1x64xf32>
    %mul3A_330 = vector.broadcast %slice3A_328 : vector<256x1xf32> to vector<256x64xf32>
    %mul3A_331 = vector.broadcast %slice3A_329 : vector<1x64xf32> to vector<256x64xf32>
    %mul3A_332 = arith.mulf %mul3A_330, %mul3A_331 : vector<256x64xf32>
    %slice3A_333 = vector.extract_strided_slice %get3A_4 {offsets = [0, 17], sizes = [256, 1], strides = [1, 1]} : vector<256x32xf32> to vector<256x1xf32>
    %slice3A_334 = vector.extract_strided_slice %get3A_21 {offsets = [1, 0], sizes = [1, 64], strides = [1, 1]} : vector<3x64xf32> to vector<1x64xf32>
    %mul3A_335 = vector.broadcast %slice3A_333 : vector<256x1xf32> to vector<256x64xf32>
    %mul3A_336 = vector.broadcast %slice3A_334 : vector<1x64xf32> to vector<256x64xf32>
    %mul3A_337 = arith.mulf %mul3A_335, %mul3A_336 : vector<256x64xf32>
    %add3A_338 = arith.addf %mul3A_332, %mul3A_337 : vector<256x64xf32>
    %slice3A_339 = vector.extract_strided_slice %get3A_7 {offsets = [0, 17], sizes = [256, 1], strides = [1, 1]} : vector<256x32xf32> to vector<256x1xf32>
    %slice3A_340 = vector.extract_strided_slice %get3A_21 {offsets = [2, 0], sizes = [1, 64], strides = [1, 1]} : vector<3x64xf32> to vector<1x64xf32>
    %mul3A_341 = vector.broadcast %slice3A_339 : vector<256x1xf32> to vector<256x64xf32>
    %mul3A_342 = vector.broadcast %slice3A_340 : vector<1x64xf32> to vector<256x64xf32>
    %mul3A_343 = arith.mulf %mul3A_341, %mul3A_342 : vector<256x64xf32>
    %add3A_344 = arith.addf %add3A_338, %mul3A_343 : vector<256x64xf32>
    %slice3A_345 = vector.extract_strided_slice %get3A_1 {offsets = [0, 18], sizes = [256, 1], strides = [1, 1]} : vector<256x32xf32> to vector<256x1xf32>
    %slice3A_346 = vector.extract_strided_slice %get3A_21 {offsets = [0, 0], sizes = [1, 64], strides = [1, 1]} : vector<3x64xf32> to vector<1x64xf32>
    %mul3A_347 = vector.broadcast %slice3A_345 : vector<256x1xf32> to vector<256x64xf32>
    %mul3A_348 = vector.broadcast %slice3A_346 : vector<1x64xf32> to vector<256x64xf32>
    %mul3A_349 = arith.mulf %mul3A_347, %mul3A_348 : vector<256x64xf32>
    %slice3A_350 = vector.extract_strided_slice %get3A_4 {offsets = [0, 18], sizes = [256, 1], strides = [1, 1]} : vector<256x32xf32> to vector<256x1xf32>
    %slice3A_351 = vector.extract_strided_slice %get3A_21 {offsets = [1, 0], sizes = [1, 64], strides = [1, 1]} : vector<3x64xf32> to vector<1x64xf32>
    %mul3A_352 = vector.broadcast %slice3A_350 : vector<256x1xf32> to vector<256x64xf32>
    %mul3A_353 = vector.broadcast %slice3A_351 : vector<1x64xf32> to vector<256x64xf32>
    %mul3A_354 = arith.mulf %mul3A_352, %mul3A_353 : vector<256x64xf32>
    %add3A_355 = arith.addf %mul3A_349, %mul3A_354 : vector<256x64xf32>
    %slice3A_356 = vector.extract_strided_slice %get3A_7 {offsets = [0, 18], sizes = [256, 1], strides = [1, 1]} : vector<256x32xf32> to vector<256x1xf32>
    %slice3A_357 = vector.extract_strided_slice %get3A_21 {offsets = [2, 0], sizes = [1, 64], strides = [1, 1]} : vector<3x64xf32> to vector<1x64xf32>
    %mul3A_358 = vector.broadcast %slice3A_356 : vector<256x1xf32> to vector<256x64xf32>
    %mul3A_359 = vector.broadcast %slice3A_357 : vector<1x64xf32> to vector<256x64xf32>
    %mul3A_360 = arith.mulf %mul3A_358, %mul3A_359 : vector<256x64xf32>
    %add3A_361 = arith.addf %add3A_355, %mul3A_360 : vector<256x64xf32>
    %slice3A_362 = vector.extract_strided_slice %get3A_1 {offsets = [0, 19], sizes = [256, 1], strides = [1, 1]} : vector<256x32xf32> to vector<256x1xf32>
    %slice3A_363 = vector.extract_strided_slice %get3A_21 {offsets = [0, 0], sizes = [1, 64], strides = [1, 1]} : vector<3x64xf32> to vector<1x64xf32>
    %mul3A_364 = vector.broadcast %slice3A_362 : vector<256x1xf32> to vector<256x64xf32>
    %mul3A_365 = vector.broadcast %slice3A_363 : vector<1x64xf32> to vector<256x64xf32>
    %mul3A_366 = arith.mulf %mul3A_364, %mul3A_365 : vector<256x64xf32>
    %slice3A_367 = vector.extract_strided_slice %get3A_4 {offsets = [0, 19], sizes = [256, 1], strides = [1, 1]} : vector<256x32xf32> to vector<256x1xf32>
    %slice3A_368 = vector.extract_strided_slice %get3A_21 {offsets = [1, 0], sizes = [1, 64], strides = [1, 1]} : vector<3x64xf32> to vector<1x64xf32>
    %mul3A_369 = vector.broadcast %slice3A_367 : vector<256x1xf32> to vector<256x64xf32>
    %mul3A_370 = vector.broadcast %slice3A_368 : vector<1x64xf32> to vector<256x64xf32>
    %mul3A_371 = arith.mulf %mul3A_369, %mul3A_370 : vector<256x64xf32>
    %add3A_372 = arith.addf %mul3A_366, %mul3A_371 : vector<256x64xf32>
    %slice3A_373 = vector.extract_strided_slice %get3A_7 {offsets = [0, 19], sizes = [256, 1], strides = [1, 1]} : vector<256x32xf32> to vector<256x1xf32>
    %slice3A_374 = vector.extract_strided_slice %get3A_21 {offsets = [2, 0], sizes = [1, 64], strides = [1, 1]} : vector<3x64xf32> to vector<1x64xf32>
    %mul3A_375 = vector.broadcast %slice3A_373 : vector<256x1xf32> to vector<256x64xf32>
    %mul3A_376 = vector.broadcast %slice3A_374 : vector<1x64xf32> to vector<256x64xf32>
    %mul3A_377 = arith.mulf %mul3A_375, %mul3A_376 : vector<256x64xf32>
    %add3A_378 = arith.addf %add3A_372, %mul3A_377 : vector<256x64xf32>
    %slice3A_379 = vector.extract_strided_slice %get3A_1 {offsets = [0, 20], sizes = [256, 1], strides = [1, 1]} : vector<256x32xf32> to vector<256x1xf32>
    %slice3A_380 = vector.extract_strided_slice %get3A_21 {offsets = [0, 0], sizes = [1, 64], strides = [1, 1]} : vector<3x64xf32> to vector<1x64xf32>
    %mul3A_381 = vector.broadcast %slice3A_379 : vector<256x1xf32> to vector<256x64xf32>
    %mul3A_382 = vector.broadcast %slice3A_380 : vector<1x64xf32> to vector<256x64xf32>
    %mul3A_383 = arith.mulf %mul3A_381, %mul3A_382 : vector<256x64xf32>
    %slice3A_384 = vector.extract_strided_slice %get3A_4 {offsets = [0, 20], sizes = [256, 1], strides = [1, 1]} : vector<256x32xf32> to vector<256x1xf32>
    %slice3A_385 = vector.extract_strided_slice %get3A_21 {offsets = [1, 0], sizes = [1, 64], strides = [1, 1]} : vector<3x64xf32> to vector<1x64xf32>
    %mul3A_386 = vector.broadcast %slice3A_384 : vector<256x1xf32> to vector<256x64xf32>
    %mul3A_387 = vector.broadcast %slice3A_385 : vector<1x64xf32> to vector<256x64xf32>
    %mul3A_388 = arith.mulf %mul3A_386, %mul3A_387 : vector<256x64xf32>
    %add3A_389 = arith.addf %mul3A_383, %mul3A_388 : vector<256x64xf32>
    %slice3A_390 = vector.extract_strided_slice %get3A_7 {offsets = [0, 20], sizes = [256, 1], strides = [1, 1]} : vector<256x32xf32> to vector<256x1xf32>
    %slice3A_391 = vector.extract_strided_slice %get3A_21 {offsets = [2, 0], sizes = [1, 64], strides = [1, 1]} : vector<3x64xf32> to vector<1x64xf32>
    %mul3A_392 = vector.broadcast %slice3A_390 : vector<256x1xf32> to vector<256x64xf32>
    %mul3A_393 = vector.broadcast %slice3A_391 : vector<1x64xf32> to vector<256x64xf32>
    %mul3A_394 = arith.mulf %mul3A_392, %mul3A_393 : vector<256x64xf32>
    %add3A_395 = arith.addf %add3A_389, %mul3A_394 : vector<256x64xf32>
    %slice3A_396 = vector.extract_strided_slice %get3A_1 {offsets = [0, 21], sizes = [256, 1], strides = [1, 1]} : vector<256x32xf32> to vector<256x1xf32>
    %slice3A_397 = vector.extract_strided_slice %get3A_21 {offsets = [0, 0], sizes = [1, 64], strides = [1, 1]} : vector<3x64xf32> to vector<1x64xf32>
    %mul3A_398 = vector.broadcast %slice3A_396 : vector<256x1xf32> to vector<256x64xf32>
    %mul3A_399 = vector.broadcast %slice3A_397 : vector<1x64xf32> to vector<256x64xf32>
    %mul3A_400 = arith.mulf %mul3A_398, %mul3A_399 : vector<256x64xf32>
    %slice3A_401 = vector.extract_strided_slice %get3A_4 {offsets = [0, 21], sizes = [256, 1], strides = [1, 1]} : vector<256x32xf32> to vector<256x1xf32>
    %slice3A_402 = vector.extract_strided_slice %get3A_21 {offsets = [1, 0], sizes = [1, 64], strides = [1, 1]} : vector<3x64xf32> to vector<1x64xf32>
    %mul3A_403 = vector.broadcast %slice3A_401 : vector<256x1xf32> to vector<256x64xf32>
    %mul3A_404 = vector.broadcast %slice3A_402 : vector<1x64xf32> to vector<256x64xf32>
    %mul3A_405 = arith.mulf %mul3A_403, %mul3A_404 : vector<256x64xf32>
    %add3A_406 = arith.addf %mul3A_400, %mul3A_405 : vector<256x64xf32>
    %slice3A_407 = vector.extract_strided_slice %get3A_7 {offsets = [0, 21], sizes = [256, 1], strides = [1, 1]} : vector<256x32xf32> to vector<256x1xf32>
    %slice3A_408 = vector.extract_strided_slice %get3A_21 {offsets = [2, 0], sizes = [1, 64], strides = [1, 1]} : vector<3x64xf32> to vector<1x64xf32>
    %mul3A_409 = vector.broadcast %slice3A_407 : vector<256x1xf32> to vector<256x64xf32>
    %mul3A_410 = vector.broadcast %slice3A_408 : vector<1x64xf32> to vector<256x64xf32>
    %mul3A_411 = arith.mulf %mul3A_409, %mul3A_410 : vector<256x64xf32>
    %add3A_412 = arith.addf %add3A_406, %mul3A_411 : vector<256x64xf32>
    %slice3A_413 = vector.extract_strided_slice %get3A_1 {offsets = [0, 22], sizes = [256, 1], strides = [1, 1]} : vector<256x32xf32> to vector<256x1xf32>
    %slice3A_414 = vector.extract_strided_slice %get3A_21 {offsets = [0, 0], sizes = [1, 64], strides = [1, 1]} : vector<3x64xf32> to vector<1x64xf32>
    %mul3A_415 = vector.broadcast %slice3A_413 : vector<256x1xf32> to vector<256x64xf32>
    %mul3A_416 = vector.broadcast %slice3A_414 : vector<1x64xf32> to vector<256x64xf32>
    %mul3A_417 = arith.mulf %mul3A_415, %mul3A_416 : vector<256x64xf32>
    %slice3A_418 = vector.extract_strided_slice %get3A_4 {offsets = [0, 22], sizes = [256, 1], strides = [1, 1]} : vector<256x32xf32> to vector<256x1xf32>
    %slice3A_419 = vector.extract_strided_slice %get3A_21 {offsets = [1, 0], sizes = [1, 64], strides = [1, 1]} : vector<3x64xf32> to vector<1x64xf32>
    %mul3A_420 = vector.broadcast %slice3A_418 : vector<256x1xf32> to vector<256x64xf32>
    %mul3A_421 = vector.broadcast %slice3A_419 : vector<1x64xf32> to vector<256x64xf32>
    %mul3A_422 = arith.mulf %mul3A_420, %mul3A_421 : vector<256x64xf32>
    %add3A_423 = arith.addf %mul3A_417, %mul3A_422 : vector<256x64xf32>
    %slice3A_424 = vector.extract_strided_slice %get3A_7 {offsets = [0, 22], sizes = [256, 1], strides = [1, 1]} : vector<256x32xf32> to vector<256x1xf32>
    %slice3A_425 = vector.extract_strided_slice %get3A_21 {offsets = [2, 0], sizes = [1, 64], strides = [1, 1]} : vector<3x64xf32> to vector<1x64xf32>
    %mul3A_426 = vector.broadcast %slice3A_424 : vector<256x1xf32> to vector<256x64xf32>
    %mul3A_427 = vector.broadcast %slice3A_425 : vector<1x64xf32> to vector<256x64xf32>
    %mul3A_428 = arith.mulf %mul3A_426, %mul3A_427 : vector<256x64xf32>
    %add3A_429 = arith.addf %add3A_423, %mul3A_428 : vector<256x64xf32>
    %slice3A_430 = vector.extract_strided_slice %get3A_1 {offsets = [0, 23], sizes = [256, 1], strides = [1, 1]} : vector<256x32xf32> to vector<256x1xf32>
    %slice3A_431 = vector.extract_strided_slice %get3A_21 {offsets = [0, 0], sizes = [1, 64], strides = [1, 1]} : vector<3x64xf32> to vector<1x64xf32>
    %mul3A_432 = vector.broadcast %slice3A_430 : vector<256x1xf32> to vector<256x64xf32>
    %mul3A_433 = vector.broadcast %slice3A_431 : vector<1x64xf32> to vector<256x64xf32>
    %mul3A_434 = arith.mulf %mul3A_432, %mul3A_433 : vector<256x64xf32>
    %slice3A_435 = vector.extract_strided_slice %get3A_4 {offsets = [0, 23], sizes = [256, 1], strides = [1, 1]} : vector<256x32xf32> to vector<256x1xf32>
    %slice3A_436 = vector.extract_strided_slice %get3A_21 {offsets = [1, 0], sizes = [1, 64], strides = [1, 1]} : vector<3x64xf32> to vector<1x64xf32>
    %mul3A_437 = vector.broadcast %slice3A_435 : vector<256x1xf32> to vector<256x64xf32>
    %mul3A_438 = vector.broadcast %slice3A_436 : vector<1x64xf32> to vector<256x64xf32>
    %mul3A_439 = arith.mulf %mul3A_437, %mul3A_438 : vector<256x64xf32>
    %add3A_440 = arith.addf %mul3A_434, %mul3A_439 : vector<256x64xf32>
    %slice3A_441 = vector.extract_strided_slice %get3A_7 {offsets = [0, 23], sizes = [256, 1], strides = [1, 1]} : vector<256x32xf32> to vector<256x1xf32>
    %slice3A_442 = vector.extract_strided_slice %get3A_21 {offsets = [2, 0], sizes = [1, 64], strides = [1, 1]} : vector<3x64xf32> to vector<1x64xf32>
    %mul3A_443 = vector.broadcast %slice3A_441 : vector<256x1xf32> to vector<256x64xf32>
    %mul3A_444 = vector.broadcast %slice3A_442 : vector<1x64xf32> to vector<256x64xf32>
    %mul3A_445 = arith.mulf %mul3A_443, %mul3A_444 : vector<256x64xf32>
    %add3A_446 = arith.addf %add3A_440, %mul3A_445 : vector<256x64xf32>
    %slice3A_447 = vector.extract_strided_slice %get3A_1 {offsets = [0, 24], sizes = [256, 1], strides = [1, 1]} : vector<256x32xf32> to vector<256x1xf32>
    %slice3A_448 = vector.extract_strided_slice %get3A_21 {offsets = [0, 0], sizes = [1, 64], strides = [1, 1]} : vector<3x64xf32> to vector<1x64xf32>
    %mul3A_449 = vector.broadcast %slice3A_447 : vector<256x1xf32> to vector<256x64xf32>
    %mul3A_450 = vector.broadcast %slice3A_448 : vector<1x64xf32> to vector<256x64xf32>
    %mul3A_451 = arith.mulf %mul3A_449, %mul3A_450 : vector<256x64xf32>
    %slice3A_452 = vector.extract_strided_slice %get3A_4 {offsets = [0, 24], sizes = [256, 1], strides = [1, 1]} : vector<256x32xf32> to vector<256x1xf32>
    %slice3A_453 = vector.extract_strided_slice %get3A_21 {offsets = [1, 0], sizes = [1, 64], strides = [1, 1]} : vector<3x64xf32> to vector<1x64xf32>
    %mul3A_454 = vector.broadcast %slice3A_452 : vector<256x1xf32> to vector<256x64xf32>
    %mul3A_455 = vector.broadcast %slice3A_453 : vector<1x64xf32> to vector<256x64xf32>
    %mul3A_456 = arith.mulf %mul3A_454, %mul3A_455 : vector<256x64xf32>
    %add3A_457 = arith.addf %mul3A_451, %mul3A_456 : vector<256x64xf32>
    %slice3A_458 = vector.extract_strided_slice %get3A_7 {offsets = [0, 24], sizes = [256, 1], strides = [1, 1]} : vector<256x32xf32> to vector<256x1xf32>
    %slice3A_459 = vector.extract_strided_slice %get3A_21 {offsets = [2, 0], sizes = [1, 64], strides = [1, 1]} : vector<3x64xf32> to vector<1x64xf32>
    %mul3A_460 = vector.broadcast %slice3A_458 : vector<256x1xf32> to vector<256x64xf32>
    %mul3A_461 = vector.broadcast %slice3A_459 : vector<1x64xf32> to vector<256x64xf32>
    %mul3A_462 = arith.mulf %mul3A_460, %mul3A_461 : vector<256x64xf32>
    %add3A_463 = arith.addf %add3A_457, %mul3A_462 : vector<256x64xf32>
    %slice3A_464 = vector.extract_strided_slice %get3A_1 {offsets = [0, 25], sizes = [256, 1], strides = [1, 1]} : vector<256x32xf32> to vector<256x1xf32>
    %slice3A_465 = vector.extract_strided_slice %get3A_21 {offsets = [0, 0], sizes = [1, 64], strides = [1, 1]} : vector<3x64xf32> to vector<1x64xf32>
    %mul3A_466 = vector.broadcast %slice3A_464 : vector<256x1xf32> to vector<256x64xf32>
    %mul3A_467 = vector.broadcast %slice3A_465 : vector<1x64xf32> to vector<256x64xf32>
    %mul3A_468 = arith.mulf %mul3A_466, %mul3A_467 : vector<256x64xf32>
    %slice3A_469 = vector.extract_strided_slice %get3A_4 {offsets = [0, 25], sizes = [256, 1], strides = [1, 1]} : vector<256x32xf32> to vector<256x1xf32>
    %slice3A_470 = vector.extract_strided_slice %get3A_21 {offsets = [1, 0], sizes = [1, 64], strides = [1, 1]} : vector<3x64xf32> to vector<1x64xf32>
    %mul3A_471 = vector.broadcast %slice3A_469 : vector<256x1xf32> to vector<256x64xf32>
    %mul3A_472 = vector.broadcast %slice3A_470 : vector<1x64xf32> to vector<256x64xf32>
    %mul3A_473 = arith.mulf %mul3A_471, %mul3A_472 : vector<256x64xf32>
    %add3A_474 = arith.addf %mul3A_468, %mul3A_473 : vector<256x64xf32>
    %slice3A_475 = vector.extract_strided_slice %get3A_7 {offsets = [0, 25], sizes = [256, 1], strides = [1, 1]} : vector<256x32xf32> to vector<256x1xf32>
    %slice3A_476 = vector.extract_strided_slice %get3A_21 {offsets = [2, 0], sizes = [1, 64], strides = [1, 1]} : vector<3x64xf32> to vector<1x64xf32>
    %mul3A_477 = vector.broadcast %slice3A_475 : vector<256x1xf32> to vector<256x64xf32>
    %mul3A_478 = vector.broadcast %slice3A_476 : vector<1x64xf32> to vector<256x64xf32>
    %mul3A_479 = arith.mulf %mul3A_477, %mul3A_478 : vector<256x64xf32>
    %add3A_480 = arith.addf %add3A_474, %mul3A_479 : vector<256x64xf32>
    %slice3A_481 = vector.extract_strided_slice %get3A_1 {offsets = [0, 26], sizes = [256, 1], strides = [1, 1]} : vector<256x32xf32> to vector<256x1xf32>
    %slice3A_482 = vector.extract_strided_slice %get3A_21 {offsets = [0, 0], sizes = [1, 64], strides = [1, 1]} : vector<3x64xf32> to vector<1x64xf32>
    %mul3A_483 = vector.broadcast %slice3A_481 : vector<256x1xf32> to vector<256x64xf32>
    %mul3A_484 = vector.broadcast %slice3A_482 : vector<1x64xf32> to vector<256x64xf32>
    %mul3A_485 = arith.mulf %mul3A_483, %mul3A_484 : vector<256x64xf32>
    %slice3A_486 = vector.extract_strided_slice %get3A_4 {offsets = [0, 26], sizes = [256, 1], strides = [1, 1]} : vector<256x32xf32> to vector<256x1xf32>
    %slice3A_487 = vector.extract_strided_slice %get3A_21 {offsets = [1, 0], sizes = [1, 64], strides = [1, 1]} : vector<3x64xf32> to vector<1x64xf32>
    %mul3A_488 = vector.broadcast %slice3A_486 : vector<256x1xf32> to vector<256x64xf32>
    %mul3A_489 = vector.broadcast %slice3A_487 : vector<1x64xf32> to vector<256x64xf32>
    %mul3A_490 = arith.mulf %mul3A_488, %mul3A_489 : vector<256x64xf32>
    %add3A_491 = arith.addf %mul3A_485, %mul3A_490 : vector<256x64xf32>
    %slice3A_492 = vector.extract_strided_slice %get3A_7 {offsets = [0, 26], sizes = [256, 1], strides = [1, 1]} : vector<256x32xf32> to vector<256x1xf32>
    %slice3A_493 = vector.extract_strided_slice %get3A_21 {offsets = [2, 0], sizes = [1, 64], strides = [1, 1]} : vector<3x64xf32> to vector<1x64xf32>
    %mul3A_494 = vector.broadcast %slice3A_492 : vector<256x1xf32> to vector<256x64xf32>
    %mul3A_495 = vector.broadcast %slice3A_493 : vector<1x64xf32> to vector<256x64xf32>
    %mul3A_496 = arith.mulf %mul3A_494, %mul3A_495 : vector<256x64xf32>
    %add3A_497 = arith.addf %add3A_491, %mul3A_496 : vector<256x64xf32>
    %slice3A_498 = vector.extract_strided_slice %get3A_1 {offsets = [0, 27], sizes = [256, 1], strides = [1, 1]} : vector<256x32xf32> to vector<256x1xf32>
    %slice3A_499 = vector.extract_strided_slice %get3A_21 {offsets = [0, 0], sizes = [1, 64], strides = [1, 1]} : vector<3x64xf32> to vector<1x64xf32>
    %mul3A_500 = vector.broadcast %slice3A_498 : vector<256x1xf32> to vector<256x64xf32>
    %mul3A_501 = vector.broadcast %slice3A_499 : vector<1x64xf32> to vector<256x64xf32>
    %mul3A_502 = arith.mulf %mul3A_500, %mul3A_501 : vector<256x64xf32>
    %slice3A_503 = vector.extract_strided_slice %get3A_4 {offsets = [0, 27], sizes = [256, 1], strides = [1, 1]} : vector<256x32xf32> to vector<256x1xf32>
    %slice3A_504 = vector.extract_strided_slice %get3A_21 {offsets = [1, 0], sizes = [1, 64], strides = [1, 1]} : vector<3x64xf32> to vector<1x64xf32>
    %mul3A_505 = vector.broadcast %slice3A_503 : vector<256x1xf32> to vector<256x64xf32>
    %mul3A_506 = vector.broadcast %slice3A_504 : vector<1x64xf32> to vector<256x64xf32>
    %mul3A_507 = arith.mulf %mul3A_505, %mul3A_506 : vector<256x64xf32>
    %add3A_508 = arith.addf %mul3A_502, %mul3A_507 : vector<256x64xf32>
    %slice3A_509 = vector.extract_strided_slice %get3A_7 {offsets = [0, 27], sizes = [256, 1], strides = [1, 1]} : vector<256x32xf32> to vector<256x1xf32>
    %slice3A_510 = vector.extract_strided_slice %get3A_21 {offsets = [2, 0], sizes = [1, 64], strides = [1, 1]} : vector<3x64xf32> to vector<1x64xf32>
    %mul3A_511 = vector.broadcast %slice3A_509 : vector<256x1xf32> to vector<256x64xf32>
    %mul3A_512 = vector.broadcast %slice3A_510 : vector<1x64xf32> to vector<256x64xf32>
    %mul3A_513 = arith.mulf %mul3A_511, %mul3A_512 : vector<256x64xf32>
    %add3A_514 = arith.addf %add3A_508, %mul3A_513 : vector<256x64xf32>
    %slice3A_515 = vector.extract_strided_slice %get3A_1 {offsets = [0, 28], sizes = [256, 1], strides = [1, 1]} : vector<256x32xf32> to vector<256x1xf32>
    %slice3A_516 = vector.extract_strided_slice %get3A_21 {offsets = [0, 0], sizes = [1, 64], strides = [1, 1]} : vector<3x64xf32> to vector<1x64xf32>
    %mul3A_517 = vector.broadcast %slice3A_515 : vector<256x1xf32> to vector<256x64xf32>
    %mul3A_518 = vector.broadcast %slice3A_516 : vector<1x64xf32> to vector<256x64xf32>
    %mul3A_519 = arith.mulf %mul3A_517, %mul3A_518 : vector<256x64xf32>
    %slice3A_520 = vector.extract_strided_slice %get3A_4 {offsets = [0, 28], sizes = [256, 1], strides = [1, 1]} : vector<256x32xf32> to vector<256x1xf32>
    %slice3A_521 = vector.extract_strided_slice %get3A_21 {offsets = [1, 0], sizes = [1, 64], strides = [1, 1]} : vector<3x64xf32> to vector<1x64xf32>
    %mul3A_522 = vector.broadcast %slice3A_520 : vector<256x1xf32> to vector<256x64xf32>
    %mul3A_523 = vector.broadcast %slice3A_521 : vector<1x64xf32> to vector<256x64xf32>
    %mul3A_524 = arith.mulf %mul3A_522, %mul3A_523 : vector<256x64xf32>
    %add3A_525 = arith.addf %mul3A_519, %mul3A_524 : vector<256x64xf32>
    %slice3A_526 = vector.extract_strided_slice %get3A_7 {offsets = [0, 28], sizes = [256, 1], strides = [1, 1]} : vector<256x32xf32> to vector<256x1xf32>
    %slice3A_527 = vector.extract_strided_slice %get3A_21 {offsets = [2, 0], sizes = [1, 64], strides = [1, 1]} : vector<3x64xf32> to vector<1x64xf32>
    %mul3A_528 = vector.broadcast %slice3A_526 : vector<256x1xf32> to vector<256x64xf32>
    %mul3A_529 = vector.broadcast %slice3A_527 : vector<1x64xf32> to vector<256x64xf32>
    %mul3A_530 = arith.mulf %mul3A_528, %mul3A_529 : vector<256x64xf32>
    %add3A_531 = arith.addf %add3A_525, %mul3A_530 : vector<256x64xf32>
    %slice3A_532 = vector.extract_strided_slice %get3A_1 {offsets = [0, 29], sizes = [256, 1], strides = [1, 1]} : vector<256x32xf32> to vector<256x1xf32>
    %slice3A_533 = vector.extract_strided_slice %get3A_21 {offsets = [0, 0], sizes = [1, 64], strides = [1, 1]} : vector<3x64xf32> to vector<1x64xf32>
    %mul3A_534 = vector.broadcast %slice3A_532 : vector<256x1xf32> to vector<256x64xf32>
    %mul3A_535 = vector.broadcast %slice3A_533 : vector<1x64xf32> to vector<256x64xf32>
    %mul3A_536 = arith.mulf %mul3A_534, %mul3A_535 : vector<256x64xf32>
    %slice3A_537 = vector.extract_strided_slice %get3A_4 {offsets = [0, 29], sizes = [256, 1], strides = [1, 1]} : vector<256x32xf32> to vector<256x1xf32>
    %slice3A_538 = vector.extract_strided_slice %get3A_21 {offsets = [1, 0], sizes = [1, 64], strides = [1, 1]} : vector<3x64xf32> to vector<1x64xf32>
    %mul3A_539 = vector.broadcast %slice3A_537 : vector<256x1xf32> to vector<256x64xf32>
    %mul3A_540 = vector.broadcast %slice3A_538 : vector<1x64xf32> to vector<256x64xf32>
    %mul3A_541 = arith.mulf %mul3A_539, %mul3A_540 : vector<256x64xf32>
    %add3A_542 = arith.addf %mul3A_536, %mul3A_541 : vector<256x64xf32>
    %slice3A_543 = vector.extract_strided_slice %get3A_7 {offsets = [0, 29], sizes = [256, 1], strides = [1, 1]} : vector<256x32xf32> to vector<256x1xf32>
    %slice3A_544 = vector.extract_strided_slice %get3A_21 {offsets = [2, 0], sizes = [1, 64], strides = [1, 1]} : vector<3x64xf32> to vector<1x64xf32>
    %mul3A_545 = vector.broadcast %slice3A_543 : vector<256x1xf32> to vector<256x64xf32>
    %mul3A_546 = vector.broadcast %slice3A_544 : vector<1x64xf32> to vector<256x64xf32>
    %mul3A_547 = arith.mulf %mul3A_545, %mul3A_546 : vector<256x64xf32>
    %add3A_548 = arith.addf %add3A_542, %mul3A_547 : vector<256x64xf32>
    %slice3A_549 = vector.extract_strided_slice %get3A_1 {offsets = [0, 30], sizes = [256, 1], strides = [1, 1]} : vector<256x32xf32> to vector<256x1xf32>
    %slice3A_550 = vector.extract_strided_slice %get3A_21 {offsets = [0, 0], sizes = [1, 64], strides = [1, 1]} : vector<3x64xf32> to vector<1x64xf32>
    %mul3A_551 = vector.broadcast %slice3A_549 : vector<256x1xf32> to vector<256x64xf32>
    %mul3A_552 = vector.broadcast %slice3A_550 : vector<1x64xf32> to vector<256x64xf32>
    %mul3A_553 = arith.mulf %mul3A_551, %mul3A_552 : vector<256x64xf32>
    %slice3A_554 = vector.extract_strided_slice %get3A_4 {offsets = [0, 30], sizes = [256, 1], strides = [1, 1]} : vector<256x32xf32> to vector<256x1xf32>
    %slice3A_555 = vector.extract_strided_slice %get3A_21 {offsets = [1, 0], sizes = [1, 64], strides = [1, 1]} : vector<3x64xf32> to vector<1x64xf32>
    %mul3A_556 = vector.broadcast %slice3A_554 : vector<256x1xf32> to vector<256x64xf32>
    %mul3A_557 = vector.broadcast %slice3A_555 : vector<1x64xf32> to vector<256x64xf32>
    %mul3A_558 = arith.mulf %mul3A_556, %mul3A_557 : vector<256x64xf32>
    %add3A_559 = arith.addf %mul3A_553, %mul3A_558 : vector<256x64xf32>
    %slice3A_560 = vector.extract_strided_slice %get3A_7 {offsets = [0, 30], sizes = [256, 1], strides = [1, 1]} : vector<256x32xf32> to vector<256x1xf32>
    %slice3A_561 = vector.extract_strided_slice %get3A_21 {offsets = [2, 0], sizes = [1, 64], strides = [1, 1]} : vector<3x64xf32> to vector<1x64xf32>
    %mul3A_562 = vector.broadcast %slice3A_560 : vector<256x1xf32> to vector<256x64xf32>
    %mul3A_563 = vector.broadcast %slice3A_561 : vector<1x64xf32> to vector<256x64xf32>
    %mul3A_564 = arith.mulf %mul3A_562, %mul3A_563 : vector<256x64xf32>
    %add3A_565 = arith.addf %add3A_559, %mul3A_564 : vector<256x64xf32>
    %slice3A_566 = vector.extract_strided_slice %get3A_1 {offsets = [0, 31], sizes = [256, 1], strides = [1, 1]} : vector<256x32xf32> to vector<256x1xf32>
    %slice3A_567 = vector.extract_strided_slice %get3A_21 {offsets = [0, 0], sizes = [1, 64], strides = [1, 1]} : vector<3x64xf32> to vector<1x64xf32>
    %mul3A_568 = vector.broadcast %slice3A_566 : vector<256x1xf32> to vector<256x64xf32>
    %mul3A_569 = vector.broadcast %slice3A_567 : vector<1x64xf32> to vector<256x64xf32>
    %mul3A_570 = arith.mulf %mul3A_568, %mul3A_569 : vector<256x64xf32>
    %slice3A_571 = vector.extract_strided_slice %get3A_4 {offsets = [0, 31], sizes = [256, 1], strides = [1, 1]} : vector<256x32xf32> to vector<256x1xf32>
    %slice3A_572 = vector.extract_strided_slice %get3A_21 {offsets = [1, 0], sizes = [1, 64], strides = [1, 1]} : vector<3x64xf32> to vector<1x64xf32>
    %mul3A_573 = vector.broadcast %slice3A_571 : vector<256x1xf32> to vector<256x64xf32>
    %mul3A_574 = vector.broadcast %slice3A_572 : vector<1x64xf32> to vector<256x64xf32>
    %mul3A_575 = arith.mulf %mul3A_573, %mul3A_574 : vector<256x64xf32>
    %add3A_576 = arith.addf %mul3A_570, %mul3A_575 : vector<256x64xf32>
    %slice3A_577 = vector.extract_strided_slice %get3A_7 {offsets = [0, 31], sizes = [256, 1], strides = [1, 1]} : vector<256x32xf32> to vector<256x1xf32>
    %slice3A_578 = vector.extract_strided_slice %get3A_21 {offsets = [2, 0], sizes = [1, 64], strides = [1, 1]} : vector<3x64xf32> to vector<1x64xf32>
    %mul3A_579 = vector.broadcast %slice3A_577 : vector<256x1xf32> to vector<256x64xf32>
    %mul3A_580 = vector.broadcast %slice3A_578 : vector<1x64xf32> to vector<256x64xf32>
    %mul3A_581 = arith.mulf %mul3A_579, %mul3A_580 : vector<256x64xf32>
    %add3A_582 = arith.addf %add3A_576, %mul3A_581 : vector<256x64xf32>
    %concatenate3A = tpu.concatenate %add3A_55, %add3A_72, %add3A_89, %add3A_106, %add3A_123, %add3A_140, %add3A_157, %add3A_174, %add3A_191, %add3A_208, %add3A_225, %add3A_242, %add3A_259, %add3A_276, %add3A_293, %add3A_310, %add3A_327, %add3A_344, %add3A_361, %add3A_378, %add3A_395, %add3A_412, %add3A_429, %add3A_446, %add3A_463, %add3A_480, %add3A_497, %add3A_514, %add3A_531, %add3A_548, %add3A_565, %add3A_582 in 0 : vector<256x64xf32>, vector<256x64xf32>, vector<256x64xf32>, vector<256x64xf32>, vector<256x64xf32>, vector<256x64xf32>, vector<256x64xf32>, vector<256x64xf32>, vector<256x64xf32>, vector<256x64xf32>, vector<256x64xf32>, vector<256x64xf32>, vector<256x64xf32>, vector<256x64xf32>, vector<256x64xf32>, vector<256x64xf32>, vector<256x64xf32>, vector<256x64xf32>, vector<256x64xf32>, vector<256x64xf32>, vector<256x64xf32>, vector<256x64xf32>, vector<256x64xf32>, vector<256x64xf32>, vector<256x64xf32>, vector<256x64xf32>, vector<256x64xf32>, vector<256x64xf32>, vector<256x64xf32>, vector<256x64xf32>, vector<256x64xf32>, vector<256x64xf32> -> vector<8192x64xf32>
    %get3A_583 = arith.constant 0 : index
    %get3A_584 = arith.constant 0 : index
    %get3A_585 = vector.load %arg1[%get3A_583, %get3A_584] : memref<8192x64xf32, #tpu.memory_space<vmem>>, vector<8192x64xf32>
    %dot_general3A = arith.constant dense<0.000000e+00> : vector<8192x64xf32>
    %dot_general3A_586 = tpu.matmul %get3A_585, %get3A_24, %dot_general3A {dimension_numbers = #tpu.dot_dimension_numbers<[1], [0], [0], [1], [0, 0, 1, 1], [], []>, transpose_lhs_hint = false} : vector<8192x64xf32>, vector<64x64xf32>, vector<8192x64xf32> -> vector<8192x64xf32>
    %add3A_587 = arith.addf %dot_general3A_586, %concatenate3A : vector<8192x64xf32>
    %add3A_588 = vector.broadcast %get3A_33 : vector<1x64xf32> to vector<8192x64xf32>
    %add3A_589 = arith.addf %add3A_587, %add3A_588 : vector<8192x64xf32>
    %max3A = arith.constant 0.000000e+00 : f32
    %max3A_590 = vector.broadcast %max3A : f32 to vector<8192x64xf32>
    %max3A_591 = arith.maximumf %add3A_589, %max3A_590 : vector<8192x64xf32>
    %dot_general3A_592 = arith.constant dense<0.000000e+00> : vector<8192x64xf32>
    %dot_general3A_593 = tpu.matmul %max3A_591, %get3A_27, %dot_general3A_592 {dimension_numbers = #tpu.dot_dimension_numbers<[1], [0], [0], [1], [0, 0, 1, 1], [], []>, transpose_lhs_hint = false} : vector<8192x64xf32>, vector<64x64xf32>, vector<8192x64xf32> -> vector<8192x64xf32>
    %add3A_594 = vector.broadcast %get3A_36 : vector<1x64xf32> to vector<8192x64xf32>
    %add3A_595 = arith.addf %dot_general3A_593, %add3A_594 : vector<8192x64xf32>
    %max3A_596 = arith.constant 0.000000e+00 : f32
    %max3A_597 = vector.broadcast %max3A_596 : f32 to vector<8192x64xf32>
    %max3A_598 = arith.maximumf %add3A_595, %max3A_597 : vector<8192x64xf32>
    %dot_general3A_599 = arith.constant dense<0.000000e+00> : vector<8192x128xf32>
    %dot_general3A_600 = tpu.matmul %max3A_598, %get3A_30, %dot_general3A_599 {dimension_numbers = #tpu.dot_dimension_numbers<[1], [0], [0], [1], [0, 0, 1, 1], [], []>, transpose_lhs_hint = false} : vector<8192x64xf32>, vector<64x128xf32>, vector<8192x128xf32> -> vector<8192x128xf32>
    %add3A_601 = vector.broadcast %get3A_39 : vector<1x128xf32> to vector<8192x128xf32>
    %add3A_602 = arith.addf %dot_general3A_600, %add3A_601 : vector<8192x128xf32>
    %max3A_603 = arith.constant 0.000000e+00 : f32
    %max3A_604 = vector.broadcast %max3A_603 : f32 to vector<8192x128xf32>
    %max3A_605 = arith.maximumf %add3A_602, %max3A_604 : vector<8192x128xf32>
    %broadcast_in_dim3A_606 = arith.constant 0.000000e+00 : f32
    %broadcast_in_dim3A_607 = vector.broadcast %broadcast_in_dim3A_606 : f32 to vector<256x128xf32>
    %slice3A_608 = vector.extract_strided_slice %div3A_18 {offsets = [0, 0], sizes = [256, 1], strides = [1, 1]} : vector<256x32xf32> to vector<256x1xf32>
    %slice3A_609 = vector.extract_strided_slice %max3A_605 {offsets = [0, 0], sizes = [256, 128], strides = [1, 1]} : vector<8192x128xf32> to vector<256x128xf32>
    %mul3A_610 = vector.broadcast %slice3A_608 : vector<256x1xf32> to vector<256x128xf32>
    %mul3A_611 = arith.mulf %mul3A_610, %slice3A_609 : vector<256x128xf32>
    %add3A_612 = arith.addf %broadcast_in_dim3A_607, %mul3A_611 : vector<256x128xf32>
    %slice3A_613 = vector.extract_strided_slice %div3A_18 {offsets = [0, 1], sizes = [256, 1], strides = [1, 1]} : vector<256x32xf32> to vector<256x1xf32>
    %slice3A_614 = vector.extract_strided_slice %max3A_605 {offsets = [256, 0], sizes = [256, 128], strides = [1, 1]} : vector<8192x128xf32> to vector<256x128xf32>
    %mul3A_615 = vector.broadcast %slice3A_613 : vector<256x1xf32> to vector<256x128xf32>
    %mul3A_616 = arith.mulf %mul3A_615, %slice3A_614 : vector<256x128xf32>
    %add3A_617 = arith.addf %add3A_612, %mul3A_616 : vector<256x128xf32>
    %slice3A_618 = vector.extract_strided_slice %div3A_18 {offsets = [0, 2], sizes = [256, 1], strides = [1, 1]} : vector<256x32xf32> to vector<256x1xf32>
    %slice3A_619 = vector.extract_strided_slice %max3A_605 {offsets = [512, 0], sizes = [256, 128], strides = [1, 1]} : vector<8192x128xf32> to vector<256x128xf32>
    %mul3A_620 = vector.broadcast %slice3A_618 : vector<256x1xf32> to vector<256x128xf32>
    %mul3A_621 = arith.mulf %mul3A_620, %slice3A_619 : vector<256x128xf32>
    %add3A_622 = arith.addf %add3A_617, %mul3A_621 : vector<256x128xf32>
    %slice3A_623 = vector.extract_strided_slice %div3A_18 {offsets = [0, 3], sizes = [256, 1], strides = [1, 1]} : vector<256x32xf32> to vector<256x1xf32>
    %slice3A_624 = vector.extract_strided_slice %max3A_605 {offsets = [768, 0], sizes = [256, 128], strides = [1, 1]} : vector<8192x128xf32> to vector<256x128xf32>
    %mul3A_625 = vector.broadcast %slice3A_623 : vector<256x1xf32> to vector<256x128xf32>
    %mul3A_626 = arith.mulf %mul3A_625, %slice3A_624 : vector<256x128xf32>
    %add3A_627 = arith.addf %add3A_622, %mul3A_626 : vector<256x128xf32>
    %slice3A_628 = vector.extract_strided_slice %div3A_18 {offsets = [0, 4], sizes = [256, 1], strides = [1, 1]} : vector<256x32xf32> to vector<256x1xf32>
    %slice3A_629 = vector.extract_strided_slice %max3A_605 {offsets = [1024, 0], sizes = [256, 128], strides = [1, 1]} : vector<8192x128xf32> to vector<256x128xf32>
    %mul3A_630 = vector.broadcast %slice3A_628 : vector<256x1xf32> to vector<256x128xf32>
    %mul3A_631 = arith.mulf %mul3A_630, %slice3A_629 : vector<256x128xf32>
    %add3A_632 = arith.addf %add3A_627, %mul3A_631 : vector<256x128xf32>
    %slice3A_633 = vector.extract_strided_slice %div3A_18 {offsets = [0, 5], sizes = [256, 1], strides = [1, 1]} : vector<256x32xf32> to vector<256x1xf32>
    %slice3A_634 = vector.extract_strided_slice %max3A_605 {offsets = [1280, 0], sizes = [256, 128], strides = [1, 1]} : vector<8192x128xf32> to vector<256x128xf32>
    %mul3A_635 = vector.broadcast %slice3A_633 : vector<256x1xf32> to vector<256x128xf32>
    %mul3A_636 = arith.mulf %mul3A_635, %slice3A_634 : vector<256x128xf32>
    %add3A_637 = arith.addf %add3A_632, %mul3A_636 : vector<256x128xf32>
    %slice3A_638 = vector.extract_strided_slice %div3A_18 {offsets = [0, 6], sizes = [256, 1], strides = [1, 1]} : vector<256x32xf32> to vector<256x1xf32>
    %slice3A_639 = vector.extract_strided_slice %max3A_605 {offsets = [1536, 0], sizes = [256, 128], strides = [1, 1]} : vector<8192x128xf32> to vector<256x128xf32>
    %mul3A_640 = vector.broadcast %slice3A_638 : vector<256x1xf32> to vector<256x128xf32>
    %mul3A_641 = arith.mulf %mul3A_640, %slice3A_639 : vector<256x128xf32>
    %add3A_642 = arith.addf %add3A_637, %mul3A_641 : vector<256x128xf32>
    %slice3A_643 = vector.extract_strided_slice %div3A_18 {offsets = [0, 7], sizes = [256, 1], strides = [1, 1]} : vector<256x32xf32> to vector<256x1xf32>
    %slice3A_644 = vector.extract_strided_slice %max3A_605 {offsets = [1792, 0], sizes = [256, 128], strides = [1, 1]} : vector<8192x128xf32> to vector<256x128xf32>
    %mul3A_645 = vector.broadcast %slice3A_643 : vector<256x1xf32> to vector<256x128xf32>
    %mul3A_646 = arith.mulf %mul3A_645, %slice3A_644 : vector<256x128xf32>
    %add3A_647 = arith.addf %add3A_642, %mul3A_646 : vector<256x128xf32>
    %slice3A_648 = vector.extract_strided_slice %div3A_18 {offsets = [0, 8], sizes = [256, 1], strides = [1, 1]} : vector<256x32xf32> to vector<256x1xf32>
    %slice3A_649 = vector.extract_strided_slice %max3A_605 {offsets = [2048, 0], sizes = [256, 128], strides = [1, 1]} : vector<8192x128xf32> to vector<256x128xf32>
    %mul3A_650 = vector.broadcast %slice3A_648 : vector<256x1xf32> to vector<256x128xf32>
    %mul3A_651 = arith.mulf %mul3A_650, %slice3A_649 : vector<256x128xf32>
    %add3A_652 = arith.addf %add3A_647, %mul3A_651 : vector<256x128xf32>
    %slice3A_653 = vector.extract_strided_slice %div3A_18 {offsets = [0, 9], sizes = [256, 1], strides = [1, 1]} : vector<256x32xf32> to vector<256x1xf32>
    %slice3A_654 = vector.extract_strided_slice %max3A_605 {offsets = [2304, 0], sizes = [256, 128], strides = [1, 1]} : vector<8192x128xf32> to vector<256x128xf32>
    %mul3A_655 = vector.broadcast %slice3A_653 : vector<256x1xf32> to vector<256x128xf32>
    %mul3A_656 = arith.mulf %mul3A_655, %slice3A_654 : vector<256x128xf32>
    %add3A_657 = arith.addf %add3A_652, %mul3A_656 : vector<256x128xf32>
    %slice3A_658 = vector.extract_strided_slice %div3A_18 {offsets = [0, 10], sizes = [256, 1], strides = [1, 1]} : vector<256x32xf32> to vector<256x1xf32>
    %slice3A_659 = vector.extract_strided_slice %max3A_605 {offsets = [2560, 0], sizes = [256, 128], strides = [1, 1]} : vector<8192x128xf32> to vector<256x128xf32>
    %mul3A_660 = vector.broadcast %slice3A_658 : vector<256x1xf32> to vector<256x128xf32>
    %mul3A_661 = arith.mulf %mul3A_660, %slice3A_659 : vector<256x128xf32>
    %add3A_662 = arith.addf %add3A_657, %mul3A_661 : vector<256x128xf32>
    %slice3A_663 = vector.extract_strided_slice %div3A_18 {offsets = [0, 11], sizes = [256, 1], strides = [1, 1]} : vector<256x32xf32> to vector<256x1xf32>
    %slice3A_664 = vector.extract_strided_slice %max3A_605 {offsets = [2816, 0], sizes = [256, 128], strides = [1, 1]} : vector<8192x128xf32> to vector<256x128xf32>
    %mul3A_665 = vector.broadcast %slice3A_663 : vector<256x1xf32> to vector<256x128xf32>
    %mul3A_666 = arith.mulf %mul3A_665, %slice3A_664 : vector<256x128xf32>
    %add3A_667 = arith.addf %add3A_662, %mul3A_666 : vector<256x128xf32>
    %slice3A_668 = vector.extract_strided_slice %div3A_18 {offsets = [0, 12], sizes = [256, 1], strides = [1, 1]} : vector<256x32xf32> to vector<256x1xf32>
    %slice3A_669 = vector.extract_strided_slice %max3A_605 {offsets = [3072, 0], sizes = [256, 128], strides = [1, 1]} : vector<8192x128xf32> to vector<256x128xf32>
    %mul3A_670 = vector.broadcast %slice3A_668 : vector<256x1xf32> to vector<256x128xf32>
    %mul3A_671 = arith.mulf %mul3A_670, %slice3A_669 : vector<256x128xf32>
    %add3A_672 = arith.addf %add3A_667, %mul3A_671 : vector<256x128xf32>
    %slice3A_673 = vector.extract_strided_slice %div3A_18 {offsets = [0, 13], sizes = [256, 1], strides = [1, 1]} : vector<256x32xf32> to vector<256x1xf32>
    %slice3A_674 = vector.extract_strided_slice %max3A_605 {offsets = [3328, 0], sizes = [256, 128], strides = [1, 1]} : vector<8192x128xf32> to vector<256x128xf32>
    %mul3A_675 = vector.broadcast %slice3A_673 : vector<256x1xf32> to vector<256x128xf32>
    %mul3A_676 = arith.mulf %mul3A_675, %slice3A_674 : vector<256x128xf32>
    %add3A_677 = arith.addf %add3A_672, %mul3A_676 : vector<256x128xf32>
    %slice3A_678 = vector.extract_strided_slice %div3A_18 {offsets = [0, 14], sizes = [256, 1], strides = [1, 1]} : vector<256x32xf32> to vector<256x1xf32>
    %slice3A_679 = vector.extract_strided_slice %max3A_605 {offsets = [3584, 0], sizes = [256, 128], strides = [1, 1]} : vector<8192x128xf32> to vector<256x128xf32>
    %mul3A_680 = vector.broadcast %slice3A_678 : vector<256x1xf32> to vector<256x128xf32>
    %mul3A_681 = arith.mulf %mul3A_680, %slice3A_679 : vector<256x128xf32>
    %add3A_682 = arith.addf %add3A_677, %mul3A_681 : vector<256x128xf32>
    %slice3A_683 = vector.extract_strided_slice %div3A_18 {offsets = [0, 15], sizes = [256, 1], strides = [1, 1]} : vector<256x32xf32> to vector<256x1xf32>
    %slice3A_684 = vector.extract_strided_slice %max3A_605 {offsets = [3840, 0], sizes = [256, 128], strides = [1, 1]} : vector<8192x128xf32> to vector<256x128xf32>
    %mul3A_685 = vector.broadcast %slice3A_683 : vector<256x1xf32> to vector<256x128xf32>
    %mul3A_686 = arith.mulf %mul3A_685, %slice3A_684 : vector<256x128xf32>
    %add3A_687 = arith.addf %add3A_682, %mul3A_686 : vector<256x128xf32>
    %slice3A_688 = vector.extract_strided_slice %div3A_18 {offsets = [0, 16], sizes = [256, 1], strides = [1, 1]} : vector<256x32xf32> to vector<256x1xf32>
    %slice3A_689 = vector.extract_strided_slice %max3A_605 {offsets = [4096, 0], sizes = [256, 128], strides = [1, 1]} : vector<8192x128xf32> to vector<256x128xf32>
    %mul3A_690 = vector.broadcast %slice3A_688 : vector<256x1xf32> to vector<256x128xf32>
    %mul3A_691 = arith.mulf %mul3A_690, %slice3A_689 : vector<256x128xf32>
    %add3A_692 = arith.addf %add3A_687, %mul3A_691 : vector<256x128xf32>
    %slice3A_693 = vector.extract_strided_slice %div3A_18 {offsets = [0, 17], sizes = [256, 1], strides = [1, 1]} : vector<256x32xf32> to vector<256x1xf32>
    %slice3A_694 = vector.extract_strided_slice %max3A_605 {offsets = [4352, 0], sizes = [256, 128], strides = [1, 1]} : vector<8192x128xf32> to vector<256x128xf32>
    %mul3A_695 = vector.broadcast %slice3A_693 : vector<256x1xf32> to vector<256x128xf32>
    %mul3A_696 = arith.mulf %mul3A_695, %slice3A_694 : vector<256x128xf32>
    %add3A_697 = arith.addf %add3A_692, %mul3A_696 : vector<256x128xf32>
    %slice3A_698 = vector.extract_strided_slice %div3A_18 {offsets = [0, 18], sizes = [256, 1], strides = [1, 1]} : vector<256x32xf32> to vector<256x1xf32>
    %slice3A_699 = vector.extract_strided_slice %max3A_605 {offsets = [4608, 0], sizes = [256, 128], strides = [1, 1]} : vector<8192x128xf32> to vector<256x128xf32>
    %mul3A_700 = vector.broadcast %slice3A_698 : vector<256x1xf32> to vector<256x128xf32>
    %mul3A_701 = arith.mulf %mul3A_700, %slice3A_699 : vector<256x128xf32>
    %add3A_702 = arith.addf %add3A_697, %mul3A_701 : vector<256x128xf32>
    %slice3A_703 = vector.extract_strided_slice %div3A_18 {offsets = [0, 19], sizes = [256, 1], strides = [1, 1]} : vector<256x32xf32> to vector<256x1xf32>
    %slice3A_704 = vector.extract_strided_slice %max3A_605 {offsets = [4864, 0], sizes = [256, 128], strides = [1, 1]} : vector<8192x128xf32> to vector<256x128xf32>
    %mul3A_705 = vector.broadcast %slice3A_703 : vector<256x1xf32> to vector<256x128xf32>
    %mul3A_706 = arith.mulf %mul3A_705, %slice3A_704 : vector<256x128xf32>
    %add3A_707 = arith.addf %add3A_702, %mul3A_706 : vector<256x128xf32>
    %slice3A_708 = vector.extract_strided_slice %div3A_18 {offsets = [0, 20], sizes = [256, 1], strides = [1, 1]} : vector<256x32xf32> to vector<256x1xf32>
    %slice3A_709 = vector.extract_strided_slice %max3A_605 {offsets = [5120, 0], sizes = [256, 128], strides = [1, 1]} : vector<8192x128xf32> to vector<256x128xf32>
    %mul3A_710 = vector.broadcast %slice3A_708 : vector<256x1xf32> to vector<256x128xf32>
    %mul3A_711 = arith.mulf %mul3A_710, %slice3A_709 : vector<256x128xf32>
    %add3A_712 = arith.addf %add3A_707, %mul3A_711 : vector<256x128xf32>
    %slice3A_713 = vector.extract_strided_slice %div3A_18 {offsets = [0, 21], sizes = [256, 1], strides = [1, 1]} : vector<256x32xf32> to vector<256x1xf32>
    %slice3A_714 = vector.extract_strided_slice %max3A_605 {offsets = [5376, 0], sizes = [256, 128], strides = [1, 1]} : vector<8192x128xf32> to vector<256x128xf32>
    %mul3A_715 = vector.broadcast %slice3A_713 : vector<256x1xf32> to vector<256x128xf32>
    %mul3A_716 = arith.mulf %mul3A_715, %slice3A_714 : vector<256x128xf32>
    %add3A_717 = arith.addf %add3A_712, %mul3A_716 : vector<256x128xf32>
    %slice3A_718 = vector.extract_strided_slice %div3A_18 {offsets = [0, 22], sizes = [256, 1], strides = [1, 1]} : vector<256x32xf32> to vector<256x1xf32>
    %slice3A_719 = vector.extract_strided_slice %max3A_605 {offsets = [5632, 0], sizes = [256, 128], strides = [1, 1]} : vector<8192x128xf32> to vector<256x128xf32>
    %mul3A_720 = vector.broadcast %slice3A_718 : vector<256x1xf32> to vector<256x128xf32>
    %mul3A_721 = arith.mulf %mul3A_720, %slice3A_719 : vector<256x128xf32>
    %add3A_722 = arith.addf %add3A_717, %mul3A_721 : vector<256x128xf32>
    %slice3A_723 = vector.extract_strided_slice %div3A_18 {offsets = [0, 23], sizes = [256, 1], strides = [1, 1]} : vector<256x32xf32> to vector<256x1xf32>
    %slice3A_724 = vector.extract_strided_slice %max3A_605 {offsets = [5888, 0], sizes = [256, 128], strides = [1, 1]} : vector<8192x128xf32> to vector<256x128xf32>
    %mul3A_725 = vector.broadcast %slice3A_723 : vector<256x1xf32> to vector<256x128xf32>
    %mul3A_726 = arith.mulf %mul3A_725, %slice3A_724 : vector<256x128xf32>
    %add3A_727 = arith.addf %add3A_722, %mul3A_726 : vector<256x128xf32>
    %slice3A_728 = vector.extract_strided_slice %div3A_18 {offsets = [0, 24], sizes = [256, 1], strides = [1, 1]} : vector<256x32xf32> to vector<256x1xf32>
    %slice3A_729 = vector.extract_strided_slice %max3A_605 {offsets = [6144, 0], sizes = [256, 128], strides = [1, 1]} : vector<8192x128xf32> to vector<256x128xf32>
    %mul3A_730 = vector.broadcast %slice3A_728 : vector<256x1xf32> to vector<256x128xf32>
    %mul3A_731 = arith.mulf %mul3A_730, %slice3A_729 : vector<256x128xf32>
    %add3A_732 = arith.addf %add3A_727, %mul3A_731 : vector<256x128xf32>
    %slice3A_733 = vector.extract_strided_slice %div3A_18 {offsets = [0, 25], sizes = [256, 1], strides = [1, 1]} : vector<256x32xf32> to vector<256x1xf32>
    %slice3A_734 = vector.extract_strided_slice %max3A_605 {offsets = [6400, 0], sizes = [256, 128], strides = [1, 1]} : vector<8192x128xf32> to vector<256x128xf32>
    %mul3A_735 = vector.broadcast %slice3A_733 : vector<256x1xf32> to vector<256x128xf32>
    %mul3A_736 = arith.mulf %mul3A_735, %slice3A_734 : vector<256x128xf32>
    %add3A_737 = arith.addf %add3A_732, %mul3A_736 : vector<256x128xf32>
    %slice3A_738 = vector.extract_strided_slice %div3A_18 {offsets = [0, 26], sizes = [256, 1], strides = [1, 1]} : vector<256x32xf32> to vector<256x1xf32>
    %slice3A_739 = vector.extract_strided_slice %max3A_605 {offsets = [6656, 0], sizes = [256, 128], strides = [1, 1]} : vector<8192x128xf32> to vector<256x128xf32>
    %mul3A_740 = vector.broadcast %slice3A_738 : vector<256x1xf32> to vector<256x128xf32>
    %mul3A_741 = arith.mulf %mul3A_740, %slice3A_739 : vector<256x128xf32>
    %add3A_742 = arith.addf %add3A_737, %mul3A_741 : vector<256x128xf32>
    %slice3A_743 = vector.extract_strided_slice %div3A_18 {offsets = [0, 27], sizes = [256, 1], strides = [1, 1]} : vector<256x32xf32> to vector<256x1xf32>
    %slice3A_744 = vector.extract_strided_slice %max3A_605 {offsets = [6912, 0], sizes = [256, 128], strides = [1, 1]} : vector<8192x128xf32> to vector<256x128xf32>
    %mul3A_745 = vector.broadcast %slice3A_743 : vector<256x1xf32> to vector<256x128xf32>
    %mul3A_746 = arith.mulf %mul3A_745, %slice3A_744 : vector<256x128xf32>
    %add3A_747 = arith.addf %add3A_742, %mul3A_746 : vector<256x128xf32>
    %slice3A_748 = vector.extract_strided_slice %div3A_18 {offsets = [0, 28], sizes = [256, 1], strides = [1, 1]} : vector<256x32xf32> to vector<256x1xf32>
    %slice3A_749 = vector.extract_strided_slice %max3A_605 {offsets = [7168, 0], sizes = [256, 128], strides = [1, 1]} : vector<8192x128xf32> to vector<256x128xf32>
    %mul3A_750 = vector.broadcast %slice3A_748 : vector<256x1xf32> to vector<256x128xf32>
    %mul3A_751 = arith.mulf %mul3A_750, %slice3A_749 : vector<256x128xf32>
    %add3A_752 = arith.addf %add3A_747, %mul3A_751 : vector<256x128xf32>
    %slice3A_753 = vector.extract_strided_slice %div3A_18 {offsets = [0, 29], sizes = [256, 1], strides = [1, 1]} : vector<256x32xf32> to vector<256x1xf32>
    %slice3A_754 = vector.extract_strided_slice %max3A_605 {offsets = [7424, 0], sizes = [256, 128], strides = [1, 1]} : vector<8192x128xf32> to vector<256x128xf32>
    %mul3A_755 = vector.broadcast %slice3A_753 : vector<256x1xf32> to vector<256x128xf32>
    %mul3A_756 = arith.mulf %mul3A_755, %slice3A_754 : vector<256x128xf32>
    %add3A_757 = arith.addf %add3A_752, %mul3A_756 : vector<256x128xf32>
    %slice3A_758 = vector.extract_strided_slice %div3A_18 {offsets = [0, 30], sizes = [256, 1], strides = [1, 1]} : vector<256x32xf32> to vector<256x1xf32>
    %slice3A_759 = vector.extract_strided_slice %max3A_605 {offsets = [7680, 0], sizes = [256, 128], strides = [1, 1]} : vector<8192x128xf32> to vector<256x128xf32>
    %mul3A_760 = vector.broadcast %slice3A_758 : vector<256x1xf32> to vector<256x128xf32>
    %mul3A_761 = arith.mulf %mul3A_760, %slice3A_759 : vector<256x128xf32>
    %add3A_762 = arith.addf %add3A_757, %mul3A_761 : vector<256x128xf32>
    %slice3A_763 = vector.extract_strided_slice %div3A_18 {offsets = [0, 31], sizes = [256, 1], strides = [1, 1]} : vector<256x32xf32> to vector<256x1xf32>
    %slice3A_764 = vector.extract_strided_slice %max3A_605 {offsets = [7936, 0], sizes = [256, 128], strides = [1, 1]} : vector<8192x128xf32> to vector<256x128xf32>
    %mul3A_765 = vector.broadcast %slice3A_763 : vector<256x1xf32> to vector<256x128xf32>
    %mul3A_766 = arith.mulf %mul3A_765, %slice3A_764 : vector<256x128xf32>
    %add3A_767 = arith.addf %add3A_762, %mul3A_766 : vector<256x128xf32>
    %swap3A = arith.constant 0 : index
    %swap3A_768 = arith.constant 0 : index
    %swap3A_769 = vector.load %arg12[%swap3A, %swap3A_768] : memref<256x128xf32, #tpu.memory_space<vmem>>, vector<256x128xf32>
    tpu.vector_store %arg12[%swap3A, %swap3A_768], %add3A_767 {strides = array<i32>} : memref<256x128xf32, #tpu.memory_space<vmem>>, vector<256x128xf32>,
    return
  }
  func.func @transform_0(%arg0: i32) -> (i32, i32) {
    %c0_i32 = arith.constant 0 : i32
    %c0_i32_0 = arith.constant 0 : i32
    return %arg0, %c0_i32 : i32, i32
  }
  func.func @transform_1(%arg0: i32) -> (i32, i32) {
    %c0_i32 = arith.constant 0 : i32
    %c0_i32_0 = arith.constant 0 : i32
    return %arg0, %c0_i32 : i32, i32
  }
  func.func @transform_2(%arg0: i32) -> (i32, i32) {
    %c0_i32 = arith.constant 0 : i32
    %c0_i32_0 = arith.constant 0 : i32
    return %arg0, %c0_i32 : i32, i32
  }
  func.func @transform_3(%arg0: i32) -> (i32, i32) {
    %c0_i32 = arith.constant 0 : i32
    %c0_i32_0 = arith.constant 0 : i32
    return %arg0, %c0_i32 : i32, i32
  }
  func.func @transform_4(%arg0: i32) -> (i32, i32) {
    %c0_i32 = arith.constant 0 : i32
    %c0_i32_0 = arith.constant 0 : i32
    %c0_i32_1 = arith.constant 0 : i32
    return %c0_i32, %c0_i32_0 : i32, i32
  }
  func.func @transform_5(%arg0: i32) -> (i32, i32) {
    %c0_i32 = arith.constant 0 : i32
    %c0_i32_0 = arith.constant 0 : i32
    %c0_i32_1 = arith.constant 0 : i32
    return %c0_i32, %c0_i32_0 : i32, i32
  }
  func.func @transform_6(%arg0: i32) -> (i32, i32) {
    %c0_i32 = arith.constant 0 : i32
    %c0_i32_0 = arith.constant 0 : i32
    %c0_i32_1 = arith.constant 0 : i32
    return %c0_i32, %c0_i32_0 : i32, i32
  }
  func.func @transform_7(%arg0: i32) -> (i32, i32) {
    %c0_i32 = arith.constant 0 : i32
    %c0_i32_0 = arith.constant 0 : i32
    %c0_i32_1 = arith.constant 0 : i32
    return %c0_i32, %c0_i32_0 : i32, i32
  }
  func.func @transform_8(%arg0: i32) -> (i32, i32) {
    %c0_i32 = arith.constant 0 : i32
    %c0_i32_0 = arith.constant 0 : i32
    %c0_i32_1 = arith.constant 0 : i32
    return %c0_i32, %c0_i32_0 : i32, i32
  }
  func.func @transform_9(%arg0: i32) -> (i32, i32) {
    %c0_i32 = arith.constant 0 : i32
    %c0_i32_0 = arith.constant 0 : i32
    %c0_i32_1 = arith.constant 0 : i32
    return %c0_i32, %c0_i32_0 : i32, i32
  }
  func.func @transform_10(%arg0: i32) -> (i32, i32) {
    %c0_i32 = arith.constant 0 : i32
    %c0_i32_0 = arith.constant 0 : i32
    %c0_i32_1 = arith.constant 0 : i32
    return %c0_i32, %c0_i32_0 : i32, i32
  }
  func.func @transform_11(%arg0: i32) -> (i32, i32) {
    %c0_i32 = arith.constant 0 : i32
    %c0_i32_0 = arith.constant 0 : i32
    return %arg0, %c0_i32 : i32, i32
  }
}

</mosaic_0001>

<sc_bundles>
// kernel: kernel.4.cloned.1.call-start
scs
__scs_entry_jumppad:
0x0: {  	(pc) =	sbr.rel $0x88, $3  }
0x1: {  	(tag) =	ssettag $0x0;
	lr =	simm.s32 $0x1  }
0x2: {  	[smem:$0x3F98] =	sst lr;
	_ =	strace $0xD0000000  }
0x3: {  	_ = 	snop  }
0x4: {  	_ = 	snop  }
0x5: {  	_ = 	snop  }
0x6: {  	_ = 	snop  }
0x7: {  	_ = 	snop  }
__scs_overlays_trampoline_lowered:
0x8: {  	[smem:$0x3FA7] =	sst s0  }
0x9: {  	[smem:$0x3FA8] =	sst s1  }
0xa: {  	[smem:$0x3FA9] =	sst s2  }
0xb: {  	[smem:$0x3FAA] =	sst s3  }
0xc: {  	[smem:$0x3FAB] =	sst s4  }
0xd: {  	[smem:$0x3FAC] =	sst s5  }
0xe: {  	[smem:$0x3FAD] =	sst s6  }
0xf: {  	[smem:$0x3FAE] =	sst s7  }
0x10: {  	[smem:$0x3FAF] =	sst s8  }
0x11: {  	[smem:$0x3FB0] =	sst s9;
	s0 =	simm.s32 @!p0 $0x0  }
0x12: {  	s1 =	sld [smem:$0x3F96];
	s0 =	simm.s32 @p0 $0x1  }
0x13: {  	[smem:$0x3FB1] =	sst s0;
	s0 =	simm.s32 @!p1 $0x0  }
0x14: {  	s2 =	sld [smem:$0x3F95];
	s0 =	simm.s32 @p1 $0x1  }
0x15: {  	[smem:$0x3FB2] =	sst s0;
	s0 =	simm.s32 @!p2 $0x0  }
0x16: {  	s3 =	sld [smem:$0x3FDB];
	s0 =	simm.s32 @p2 $0x1  }
0x17: {  	s4 =	simm.s32 $0x1BF5;
	[smem:$0x3FB4] =	sst s0  }
0x18: {  	s0 =	sld [smem:$0x3F97];
	_ =	swait.ge [sflag:s4], $0x0  }
0x19: {  	s7 =	sld [smem:$0x3F98]  }
0x1a: {  	s8 =	sadd.s32 $0xFFFFE003, lr  }
0x1b: {  	s9 =	sadd.s32 $0xFFFFFEF7, lr;
	s5 =	simm.s32 $0xFFFFFFFF;
	p2 =	slt.u32 s8, $0xFFFFF086  }
0x1c: {  	p1 =	slt.u32 s9, $0xF7A;
	s5 =	simm.s32 @!p2 $0x0  }
0x1d: {  	s5 =	simm.s32 @p1 $0x1;
	p0 =	seq.s32 s7, s2  }
0x1e: {  	s7 =	smul.u32 @!p0 $0xF7A, s2;
	p2 =	seq.s32 @!p0 s5, $0x0  }
0x1f: {  	s9 =	smul.u32 $0xF7A, s1;
	s8 =	simm.s32 @!p0 $0x1BF5;
	p2 =	por !p2, p0  }
0x20: {  	[sflag:s8] =	ssyncset.s32 @!p0 $0xFFFFF086;
	s6 =	sadd.s32 @!p0 s3, s7;
	s7 =	simm.s32 @!p0 $0x108  }
0x21: {  	s3 =	sadd.s32 s3, s9;
	s6 =	sadd.s32 @!p0 $0x88, s6;
	s7 =	simm.s32 @p2 $0x1082  }
0x22: {  	[simem:s7], [sflag:s8] =	dma.local @!p0 [hbm:s6], $0xF7A  }
0x23: {  	s9 =	sor.u32 $0xD0000000, s2;
	s6 =	simm.s32 $0x108;
	_ =	swait.ge @!p0 [sflag:s8], $0x0  }
0x24: {  	s3 =	sadd.s32 $0x88, s3;
	s6 =	simm.s32 @!p1 $0x1082;
	[sflag:s4] =	ssyncset.s32 $0xFFFFF086  }
0x25: {  	[simem:s6], [sflag:s4] =	dma.local [hbm:s3], $0xF7A  }
0x26: {  	[smem:$0x3F98] =	sst s1;
	(tag) =	ssettag s2;
	_ =	strace s9  }
0x27: {  	s1 =	sld [smem:$0x3FA8]  }
0x28: {  	s2 =	sld [smem:$0x3FA9]  }
0x29: {  	s4 =	sld [smem:$0x3FAB]  }
0x2a: {  	p0 =	seq.s32 s5, $0x0;
	s5 =	sld [smem:$0x3FAC]  }
0x2b: {  	s6 =	sld [smem:$0x3FAD]  }
0x2c: {  	s7 =	sld [smem:$0x3FAE]  }
0x2d: {  	s3 =	simm.s32 $0x108;
	s8 =	sld [smem:$0x3FAF]  }
0x2e: {  	s3 =	simm.s32 @!p0 $0x1082;
	s9 =	sld [smem:$0x3FB0]  }
0x2f: {  	lr =	sadd.s32 s0, s3;
	s0 =	sld [smem:$0x3FA7]  }
0x30: {  	s3 =	sld [smem:$0x3FAA]  }
0x31: {  	[smem:$0x3FB3] =	sst s10  }
0x32: {  	s10 =	sld [smem:$0x3FB1];
	_ =	sdelay $0x3  }
0x33: {  	p0 =	seq.s32 s10, $0x1;
	s10 =	sld [smem:$0x3FB3];
	_ =	sdelay $0x3  }
0x34: {  	[smem:$0x3FB3] =	sst s10  }
0x35: {  	s10 =	sld [smem:$0x3FB2];
	_ =	sdelay $0x3  }
0x36: {  	p1 =	seq.s32 s10, $0x1;
	s10 =	sld [smem:$0x3FB3];
	_ =	sdelay $0x3  }
0x37: {  	[smem:$0x3FB3] =	sst s10  }
0x38: {  	s10 =	sld [smem:$0x3FB4]  }
0x39: {  	_ = 	snop;
	(pc) =	sbr.ind lr, $3  }
0x3a: {  	_ = 	snop  }
0x3b: {  	_ = 	snop  }
0x3c: {  	p2 =	seq.s32 s10, $0x1;
	s10 =	sld [smem:$0x3FB3]  }
0x3d: {  	_ =	shalt  }
0x3e: {  	_ =	shalt  }
0x3f: {  	_ =	shalt  }
0x40: {  	_ =	shalt  }
0x41: {  	_ =	shalt  }
0x42: {  	_ =	shalt  }
0x43: {  	_ =	shalt  }
0x44: {  	_ =	shalt  }
0x45: {  	_ =	shalt  }
0x46: {  	_ =	shalt  }
0x47: {  	_ =	shalt  }
0x48: {  	_ =	shalt  }
0x49: {  	_ =	shalt  }
0x4a: {  	_ =	shalt  }
0x4b: {  	_ =	shalt  }
0x4c: {  	_ =	shalt  }
0x4d: {  	_ =	shalt  }
0x4e: {  	_ =	shalt  }
0x4f: {  	_ =	shalt  }
0x50: {  	_ =	shalt  }
0x51: {  	_ =	shalt  }
0x52: {  	_ =	shalt  }
0x53: {  	_ =	shalt  }
0x54: {  	_ =	shalt  }
0x55: {  	_ =	shalt  }
0x56: {  	_ =	shalt  }
0x57: {  	_ =	shalt  }
0x58: {  	_ =	shalt  }
0x59: {  	_ =	shalt  }
0x5a: {  	_ =	shalt  }
0x5b: {  	_ =	shalt  }
0x5c: {  	_ =	shalt  }
0x5d: {  	_ =	shalt  }
0x5e: {  	_ =	shalt  }
0x5f: {  	_ =	shalt  }
0x60: {  	_ =	shalt  }
0x61: {  	_ =	shalt  }
0x62: {  	_ =	shalt  }
0x63: {  	_ =	shalt  }
0x64: {  	_ =	shalt  }
0x65: {  	_ =	shalt  }
0x66: {  	_ =	shalt  }
0x67: {  	_ =	shalt  }
0x68: {  	_ =	shalt  }
0x69: {  	_ =	shalt  }
0x6a: {  	_ =	shalt  }
0x6b: {  	_ =	shalt  }
0x6c: {  	_ =	shalt  }
0x6d: {  	_ =	shalt  }
0x6e: {  	_ =	shalt  }
0x6f: {  	_ =	shalt  }
0x70: {  	_ =	shalt  }
0x71: {  	_ =	shalt  }
0x72: {  	_ =	shalt  }
0x73: {  	_ =	shalt  }
0x74: {  	_ =	shalt  }
0x75: {  	_ =	shalt  }
0x76: {  	_ =	shalt  }
0x77: {  	_ =	shalt  }
0x78: {  	_ =	shalt  }
0x79: {  	_ =	shalt  }
0x7a: {  	_ =	shalt  }
0x7b: {  	_ =	shalt  }
0x7c: {  	_ =	shalt  }
0x7d: {  	_ =	shalt  }
0x7e: {  	_ =	shalt  }
0x7f: {  	_ =	shalt  }
0x80: {  	_ =	shalt  }
0x81: {  	_ =	shalt  }
0x82: {  	_ =	shalt  }
0x83: {  	_ =	shalt  }
0x84: {  	_ =	shalt  }
0x85: {  	_ =	shalt  }
0x86: {  	_ =	shalt  }
0x87: {  	_ =	shalt  }
.Lfunc_end0:
.L_simem_size_0:
called_computation_lowered:
.L_overlay_start_0:
0x88: {  	s2 =	sld [smem:$0x3FD9]  }
0x89: {  	s3 =	sld [smem:$0x3FFE];
	_ =	sdelay $0x1  }
0x8a: {  	s1 =	srdreg.scid  }
0x8b: {  	s0 =	sand.u32 $0x1, s1  }
0x8c: {  	s14 =	sshll.u32 s0, $0xA;
	s2 =	sadd.s32 s3, s2  }
0x8d: {  	s2 =	sadd.s32 s2, s14  }
0x8e: {  	[smem:$0x3FBF] =	sst s2  }
0x8f: {  	_ = 	snop  }
0x90: {  	s2 =	sld [smem:$0x3FD0];
	_ =	sdelay $0x2  }
0x91: {  	s15 =	simm.s32 $0xA;
	s4 =	simm.s32 $0x10  }
0x92: {  	[smem:s4], [sflag:s15] =	dma.local [hbm:s2], $0x1  }
0x93: {  	_ =	swait.eq [sflag:s15], $0x1  }
0x94: {  	[sflag:s15] =	ssyncset.done $0x0  }
0x95: {  	s16 =	sld [smem:$0x10];
	[sflag:s15] =	ssyncadd.s32 $0xFFFFFFFF  }
0x96: {  	s17 =	sld [smem:$0x11];
	(tm) =	ssettm $0x1  }
0x97: {  	s18 =	sld [smem:$0x3FFB];
	_ =	sdelay $0x3  }
0x98: {  	_ =	strace s18  }
0x99: {  	s4 =	sld [smem:$0x3FFC];
	_ =	sdelay $0x3  }
0x9a: {  	_ =	strace s4  }
0x9b: {  	s4 =	sld [smem:$0x3FFD];
	_ =	sdelay $0x3  }
0x9c: {  	_ =	strace s4  }
0x9d: {  	_ =	strace $0x8FFFFFFF  }
0x9e: {  	s19 =	sld [smem:$0x3FDB];
	_ =	sdelay $0x1  }
0x9f: {  	s5 =	simm.s32 $_scs_section_size  }
0xa0: {  	s6 =	simm.s32 $_size__tile_overlayer_lowered;
	s7 =	simm.s32 $_tile_overlayer_lowered  }
0xa1: {  	s22 =	simm.s32 $0x1BFF;
	s21 =	sshll.u32 s7, $0x1;
	s4 =	sadd.s32 s5, s19  }
0xa2: {  	s8 =	simm.s32 $0x0;
	s20 =	sshll.u32 s6, $0x1;
	s6 =	sadd.s32 s21, s4  }
0xa3: {  	[timem:s8], [sflag:s22] =	dma.local [hbm:s6], s20  }
0xa4: {  	_ =	swait.ge [sflag:s22], s20  }
0xa5: {  	s5 =	ssub.s32 $0x0, s20;
	[sflag:s22] =	ssyncset.done $0x0  }
0xa6: {  	[sflag:s22] =	ssyncadd.s32 s5;
	_ =	sdelay $0x1  }
0xa7: {  	s23 =	simm.s32 $0x1B8B  }
0xa8: {  	_ =	swait.ge [sflag:s23], $0x1  }
0xa9: {  	[sflag:s23] =	ssyncset.done $0x0  }
0xaa: {  	s25 =	simm.s32 $0x1B8E;
	s24 =	sld [smem:$0x3FFE];
	[sflag:s23] =	ssyncadd.s32 $0xFFFFFFFF  }
0xab: {  	s26 =	simm.s32 $execute0_lowered;
	[smem:$0x3FD2] =	sst s25  }
0xac: {  	s6 =	sshll.u32 s26, $0x1;
	_ =	strace $0x80000046;
	[dreg:$0x1] =	wrdreg $0xFFFFFFFF  }
0xad: {  	s28 =	simm.s32 $_size_execute0_lowered;
	s4 =	sadd.s32 s4, s6;
	[dreg:$0x0] =	wrdreg $0x0  }
0xae: {  	s6 =	sshll.u32 s28, $0x1;
	[dreg:$0x2] =	wrdreg s4  }
0xaf: {  	[dreg:$0x3] =	wrdreg s6  }
0xb0: {  	[dreg:$0x4] =	wrdreg $0xC0  }
0xb1: {  	_ =	task [dreg:s8], $0x5FFFF  }
0xb2: {  	[dreg:$0x1] =	wrdreg $0xFFFFFFFF  }
0xb3: {  	[dreg:$0x0] =	wrdreg $0x60  }
0xb4: {  	[dreg:$0x2] =	wrdreg s24  }
0xb5: {  	[dreg:$0x3] =	wrdreg s16  }
0xb6: {  	[dreg:$0x4] =	wrdreg s17  }
0xb7: {  	[dreg:$0x5] =	wrdreg $0x9  }
0xb8: {  	_ =	task.clear_ibuf [dreg:s8], $0x6FFFF;
	_ =	strace $0x90000046  }
0xb9: {  	s29 =	simm.s32 $0x9;
	_ =	strace $0x80000048  }
0xba: {  	_ =	swait.ge [sflag:s29], $0x1  }
0xbb: {  	[sflag:s29] =	ssyncadd.s32 $0xFFFFFFFF  }
0xbc: {  	_ =	strace $0x90000048  }
0xbd: {  	_ =	sfence  }
0xbe: {  	s30 =	sld [smem:$0x0];
	_ =	sdelay $0x2  }
0xbf: {  	s31 =	sshll.u32 s1, $0xD;
	s1 =	sshrl.u32 s1, $0x2  }
0xc0: {  	s3 =	sand.u32 $0x4000, s31;
	s1 =	sadd.s32 s1, s30  }
0xc1: {  	s0 =	sor.u32 s3, s0;
	s1 =	sshll.u32 s1, $0x11  }
0xc2: {  	s0 =	sor.u32 s1, s0  }
0xc3: {  	s0 =	sadd.s32 $0x8F2B, s0  }
0xc4: {  	[sflag:s0] =	ssyncadd.remote.s32 $0x1  }
0xc5: {  	_ =	sfence.sel $0xFFFF  }
0xc6: {  	[dreg:$0x0] =	wrdreg $0xFFFFFFFF;
	(pc) =	sbr.abs _section_cstart, $3  }
0xc7: {  	[dreg:$0x1] =	wrdreg $0xFFFFFFFF  }
0xc8: {  	_ =	task.clear_ibuf [dreg:s8], $0x2FFFF;
	_ =	strace $0x9FFFFFFF  }
0xc9: {  	(tm) =	ssettm $0x7FFFFFFF  }
tec
execute0_lowered:
.L_overlay_start_1:
0x0: {  	(tag) =	ssettag $0x1  }
0x1: {  	s0 =	rddreg [dreg:$0x0]  }
0x2: {  	s1 =	srdreg.scid;
	s9 =	rddreg [dreg:$0x1]  }
0x3: {  	s11 =	rddreg [dreg:$0x2];
	s19 =	stileid.u32;
	s5 =	simm.s32 $0x1  }
0x4: {  	s30 =	simm.s32 $0x2;
	s1 =	sand.u32 $0x1, s1;
	s4 =	sand.u32 $0x7, s19  }
0x5: {  	s6 =	sadd.s32 $0x41800, s0;
	s3 =	sadd.s32 $0x1800, s0;
	s15 =	sadd.s32 $0x44800, s0  }
0x6: {  	s31 =	sshll.u32 s19, $0x10;
	s2 =	sshll.u32 s1, $0x4;
	p1 =	sne.s32 s4, $0x0  }
0x7: {  	s18 =	ssub.s32 $0x2, s1;
	s20 =	sshll.u32 s4, $0x8;
	s14 =	sor.u32 s19, s2  }
0x8: {  	s1 =	sshll.u32 s1, $0x14;
	s2 =	simm.s32 $0x0;
	p0 =	seq.s32 s14, $0x0  }
0x9: {  	s8 =	sshrl.u32 s18, $0x1;
	s1 =	sadd.s32 s1, s15;
	p0 =	por !p1, !p0  }
0xa: {  	[smem:$0x7FF] =	sst s2;
	s7 =	sshrl.u32 s14, $0x3;
	p0 =	por !p0, !p0  }
0xb: {  	s12 =	sshll.u32 s14, $0xA;
	s16 =	ssub.s32 s18, s8;
	s5 =	simm.s32 @!p0 $0x0  }
0xc: {  	s29 =	sshll.u32 s14, $0x10;
	_ =	strace $0x80000047;
	s10 =	ssub.s32 s7, s5  }
0xd: {  	s0 =	sadd.s32 s12, s0;
	s11 =	sadd.s32 s11, s12;
	s7 =	smul.u32 $0x3, s10  }
0xe: {  	s14 =	smax.u32 s16, $0x1;
	s16 =	sadd.s32 s31, s1;
	s13 =	smul.u32 $0x6000, s10  }
0xf: {  	s12 =	sadd.s32 $0x244800, s0;
	s18 =	smul.u32 $0x1800, s10;
	s10 =	sshll.u32 s10, $0xD  }
0x10: {  	s17 =	sadd.s32 $0x1, s7;
	s21 =	sshrl.u32 s13, $0x3;
	s7 =	sadd.s32 $0x2, s7  }
0x11: {  	s25 =	sor.u32 s20, s18;
	s22 =	sshll.u32 s17, $0xA;
	s4 =	sadd.s32 s6, s21  }
0x12: {  	s23 =	sshll.u32 s7, $0xA;
	s24 =	sshll.u32 s17, $0xB;
	s7 =	sshll.u32 s7, $0xB  }
0x13: {  	s26 =	sshrl.u32 s25, $0x3;
	s17 =	simm.s32 $0x3;
	s25 =	simm.s32 $0xA300  }
0x14: {  	s5 =	sand.u32 $0x1FFFFC00, s22;
	s13 =	sand.u32 $0x1FFFFC00, s23;
	s7 =	sor.u32 s20, s7  }
0x15: {  	s23 =	simm.s32 $0x6300;
	s5 =	sadd.s32 s6, s5;
	s6 =	sadd.s32 s6, s13  }
0x16: {  	s13 =	sor.u32 s20, s24;
	s28 =	sshrl.u32 s7, $0x3;
	s7 =	sadd.s32 s9, s26  }
0x17: {  	s24 =	simm.s32 $0x8300;
	s26 =	simm.s32 $0xC300;
	s13 =	sshrl.u32 s13, $0x3  }
0x18: {  	s8 =	sadd.s32 s9, s13;
	s13 =	sadd.s32 $0x24C800, s0;
	s0 =	sadd.s32 s15, s29  }
0x19: {  	v1 =	vimm.s32 $0x0;
	v2 =	vlaneseq.u32;
	v0 =	vmov s10;
	s9 =	sadd.s32 s9, s28;
	s15 =	sadd.s32 $0xFC00, s0;
	s0 =	simm.s32 $0x0  }
.LBB2_1:
0x1a: {  	[tilespmem:s2], [sflag:$0x3] =	stream.linear.gather [hbm4b:s4+s2], $0x2000, $0x38;
	[tilespmem:$0x12300] =	vst v63  }
0x1b: {  	_ =	swait.ge [sflag:s17], $0x2000  }
0x1c: {  	[sflag:s17] =	ssyncset.done $0x0  }
0x1d: {  	s1 =	simm.s32 $0x2000;
	[sflag:s17] =	ssyncadd.s32 $0xFFFFE000  }
0x1e: {  	[tilespmem:s1], [sflag:$0x3] =	stream.linear.gather [hbm4b:s5+s2], $0x2000, $0x38;
	[tilespmem:$0x12300] =	vst v63  }
0x1f: {  	_ =	swait.ge [sflag:s17], $0x2000  }
0x20: {  	[sflag:s17] =	ssyncset.done $0x0  }
0x21: {  	s22 =	simm.s32 $0x4000;
	[sflag:s17] =	ssyncadd.s32 $0xFFFFE000  }
0x22: {  	[tilespmem:s22], [sflag:$0x3] =	stream.linear.gather [hbm4b:s6+s2], $0x2000, $0x38;
	[tilespmem:$0x12300] =	vst v63  }
0x23: {  	_ =	swait.ge [sflag:s17], $0x2000  }
0x24: {  	[sflag:s17] =	ssyncset.done $0x0  }
0x25: {  	s28 =	simm.s32 $0x6000;
	[sflag:s17] =	ssyncadd.s32 $0xFFFFE000  }
0x26: {  	[tilespmem:s28], [sflag:$0x3] =	stream.linear.gather [hbm4b:s7+s2], $0x100, $0x38;
	[tilespmem:$0x12300] =	vst v63  }
0x27: {  	_ =	swait.ge [sflag:s17], $0x100  }
0x28: {  	[sflag:s17] =	ssyncset.done $0x0  }
0x29: {  	s29 =	simm.s32 $0x6100;
	[sflag:s17] =	ssyncadd.s32 $0xFFFFFF00  }
0x2a: {  	[tilespmem:s29], [sflag:$0x3] =	stream.linear.gather [hbm4b:s8+s2], $0x100, $0x38;
	[tilespmem:$0x12300] =	vst v63  }
0x2b: {  	_ =	swait.ge [sflag:s17], $0x100  }
0x2c: {  	[sflag:s17] =	ssyncset.done $0x0  }
0x2d: {  	s31 =	simm.s32 $0x6200;
	[sflag:s17] =	ssyncadd.s32 $0xFFFFFF00  }
0x2e: {  	[tilespmem:s31], [sflag:$0x3] =	stream.linear.gather [hbm4b:s9+s2], $0x100, $0x38;
	[tilespmem:$0x12300] =	vst v63  }
0x2f: {  	_ =	swait.ge [sflag:s17], $0x100  }
0x30: {  	[sflag:s17] =	ssyncset.done $0x0  }
0x31: {  	s1 =	simm.s32 $0x0;
	[sflag:s17] =	ssyncadd.s32 $0xFFFFFF00  }
.LBB2_2:
0x32: {  	s18 =	sand.u32 $0xF0, s1  }
0x33: {  	v3 =	vld [tilespmem:s18+$0x6000]  }
0x34: {  	v5 =	vld [tilespmem:s18+$0x6100]  }
0x35: {  	v8 =	vld [tilespmem:s18+$0x6200];
	_ =	sdelay $0x1  }
0x36: {  	s31 =	sand.u32 $0xF, s1  }
0x37: {  	v9 =	vmov s31  }
0x38: {  	v4 =	vmov s1;
	s28 =	simm.s32 $0x0;
	s19 =	simm.s32 $0x2000;
	s20 =	simm.s32 $0x4000;
	v6 =	vperm.xlane v3, v9  }
0x39: {  	s21 =	simm.s32 $0x0;
	s22 =	simm.s32 $0x0;
	s18 =	simm.s32 $0x0;
	v7 =	vperm.xlane v5, v9;
	v3 =	vperm.xlane v8, v9;
	v5 =	vshll.u32 v4, $0x5  }
.LBB2_3:
0x3a: {  	v8 =	vld [tilespmem:s22+$0x0]  }
0x3b: {  	v9 =	vld [tilespmem:s19+$0x0];
	_ =	sdelay $0x1  }
0x3c: {  	v10 =	vld [tilespmem:s20+$0x0];
	_ =	sdelay $0x2  }
0x3d: {  	v8 =	vsub.f32 v8, v6;
	v9 =	vsub.f32 v9, v7;
	_ =	sdelay $0x1  }
0x3e: {  	v10 =	vsub.f32 v10, v3;
	v11 =	vmul.f32 v8, v8;
	v12 =	vmul.f32 v9, v9;
	_ =	sdelay $0x1  }
0x3f: {  	v62 =	vmul.f32 v10, v10;
	v11 =	vadd.f32 v12, v11;
	_ =	sdelay $0x1  }
0x40: {  	v11 =	vadd.f32 v62, v11;
	_ =	sdelay $0x1  }
0x41: {  	vm0 =	vlt.f32 v11, $1.599999960e-01  }
0x42: {  	v11 =	vsel vm0, $0x1, v1  }
0x43: {  	(xrf0) =	vadd.scan.msk.s32 $0xffff, v11;
	_ =	sdelay $0x5  }
0x44: {  	v11, _, _ =	vpop (xrf0)  }
0x45: {  	(v2sf) =	vpush v11, $0xF;
	_ =	sdelay $0x7  }
0x46: {  	v63 =	vmov s18  }
0x47: {  	v12 =	vadd.s32 $0xFFFFFFFF, v63  }
0x48: {  	v12 =	vbroadcast v12, $0x0;
	_ =	sdelay $0x1  }
0x49: {  	v11 =	vadd.s32 v11, v12  }
0x4a: {  	vm1 =	vlt.s32 v11, $0x20  }
0x4b: {  	v12 =	vshll.u32 v11, $0x8;
	vm0 =	vmand vm0, vm1  }
0x4c: {  	v12 =	vadd.s32 v4, v12;
	s31 =	spop (v2sf)  }
0x4d: {  	p0 =	sgt.u32 s28, $0x1FE;
	v11 =	vadd.s32 v5, v11;
	s18 =	sadd.s32 s18, s31  }
0x4e: {  	p1 =	slt.s32 @!p0 s18, $0x20  }
0x4f: {  	s29 =	sor.u32 s10, s21;
	p0 =	por p0, !p1  }
.Ltmp0:
0x50: {  	v13 =	vor.u32 s29, v2;
	(pc) =	sbr.rel @!p0 .LBB2_3-.Ltmp0, $4  }
0x51: {  	[tilespmem:v12+s23+$0x0] =	vst.idx.msk vm0, v13  }
0x52: {  	[tilespmem:v11+s24+$0x0] =	vst.idx.msk vm0, v8  }
0x53: {  	s28 =	sadd.s32 $0x1, s28;
	s22 =	sadd.s32 $0x10, s22;
	[tilespmem:v11+s25+$0x0] =	vst.idx.msk vm0, v9  }
0x54: {  	s19 =	sadd.s32 $0x10, s19;
	s20 =	sadd.s32 $0x10, s20;
	s21 =	sadd.s32 $0x10, s21;
	[tilespmem:v11+s26+$0x0] =	vst.idx.msk vm0, v10  }
0x55: {  	p0 =	sgt.s32 s18, $0x1F  }
0x56: {  	v8 =	vld @!p0 [tilespmem:s1+$0x6300];
	_ =	sdelay $0x3  }
0x57: {  	v9 =	vimm.s32 @!p0 $0x0  }
0x58: {  	p1 =	sgt.s32 @!p0 s18, $0x0;
	v8 =	vperm.xlane @!p0 v8, v9  }
0x59: {  	p1 =	por !p1, p0  }
0x5a: {  	v8 =	vpsel p1, v0, v8  }
0x5b: {  	v9 =	vsub.s32 @!p0 v8, v0  }
0x5c: {  	v10 =	vand.u32 @!p0 $0x7, v8;
	v9 =	vand.u32 @!p0 $0xFFFFFFF8, v9  }
0x5d: {  	v9 =	vor.u32 @!p0 v10, v9;
	_ =	sdelay $0x2  }
0x5e: {  	v10 =	vlaneseq.u32 @!p0  }
0x5f: {  	s19 =	simm.s32 @!p0 $0x0;
	v11 =	vmov @!p0 s18;
	v12 =	vadd.s32 @!p0 $0x1, v10;
	v13 =	vmul.u32 @!p0 $0x100, v10  }
0x60: {  	s18 =	simm.s32 @!p0 $0x2000;
	vm0 =	vlt.s32 @!p0 v11, v12;
	v14 =	vld.idx.msk @!p0 [tilespmem:v9+s19+$0x0], $0xffff  }
0x61: {  	v15 =	vor.u32 @!p0 v13, v4;
	v12 =	vld.idx.msk @!p0 [tilespmem:v9+s18+$0x0], $0xffff;
	s18 =	simm.s32 @!p0 $0x4000  }
0x62: {  	v16 =	vor.u32 @!p0 v10, v5;
	v9 =	vld.idx.msk @!p0 [tilespmem:v9+s18+$0x0], $0xffff  }
0x63: {  	v17 =	vadd.s32 @!p0 $0x11, v10  }
0x64: {  	vm1 =	vlt.s32 @!p0 v11, v17;
	v11 =	vor.u32 @!p0 $0x1000, v13  }
0x65: {  	v10 =	vor.u32 @!p0 $0x10, v10;
	v4 =	vor.u32 @!p0 v11, v4;
	s18 =	simm.s32 @!p0 $0x6300;
	v6 =	vsub.f32 @!p0 v14, v6  }
0x66: {  	v5 =	vor.u32 @!p0 v10, v5;
	s19 =	simm.s32 @!p0 $0x8300;
	[tilespmem:v15+s18+$0x0] =	vst.idx.msk @!p0 vm0, v8;
	v7 =	vsub.f32 @!p0 v12, v7  }
0x67: {  	s20 =	simm.s32 @!p0 $0xA300;
	s1 =	sadd.s32 $0x1, s1;
	v3 =	vsub.f32 @!p0 v9, v3;
	[tilespmem:v16+s19+$0x0] =	vst.idx.msk @!p0 vm0, v6  }
0x68: {  	s21 =	simm.s32 @!p0 $0xC300;
	p1 =	sne.s32 s1, $0x100;
	[tilespmem:v16+s20+$0x0] =	vst.idx.msk @!p0 vm0, v7  }
.Ltmp1:
0x69: {  	[tilespmem:v16+s21+$0x0] =	vst.idx.msk @!p0 vm0, v3;
	(pc) =	sbr.rel @p1 .LBB2_2-.Ltmp1, $4  }
0x6a: {  	[tilespmem:v4+s18+$0x0] =	vst.idx.msk @!p0 vm1, v8  }
0x6b: {  	[tilespmem:v5+s19+$0x0] =	vst.idx.msk @!p0 vm1, v6  }
0x6c: {  	[tilespmem:v5+s20+$0x0] =	vst.idx.msk @!p0 vm1, v7  }
0x6d: {  	[tilespmem:v5+s21+$0x0] =	vst.idx.msk @!p0 vm1, v3  }
0x6e: {  	s1 =	simm.s32 $0x0  }
0x6f: {  	[hbm4b:s11+s1] =	stream.linear.scatter [tilespmem:s24], [sflag:$0x3], $0x2000, $0x38;
	[tilespmem:$0x12300] =	vst v63  }
0x70: {  	_ =	swait.ge [sflag:s17], $0x2000  }
0x71: {  	[sflag:s17] =	ssyncset.done $0x0  }
0x72: {  	[sflag:s17] =	ssyncadd.s32 $0xFFFFE000  }
0x73: {  	[hbm4b:s12+s1] =	stream.linear.scatter [tilespmem:s25], [sflag:$0x3], $0x2000, $0x38;
	[tilespmem:$0x12300] =	vst v63  }
0x74: {  	_ =	swait.ge [sflag:s17], $0x2000  }
0x75: {  	[sflag:s17] =	ssyncset.done $0x0  }
0x76: {  	[sflag:s17] =	ssyncadd.s32 $0xFFFFE000  }
0x77: {  	[hbm4b:s13+s1] =	stream.linear.scatter [tilespmem:s26], [sflag:$0x3], $0x2000, $0x38;
	[tilespmem:$0x12300] =	vst v63  }
0x78: {  	s1 =	sand.u32 $0x1, s1;
	_ =	swait.ge [sflag:s17], $0x2000  }
0x79: {  	s18 =	simm.s32 $0x80;
	p0 =	seq.s32 s1, $0x1;
	[sflag:s17] =	ssyncset.done $0x0  }
0x7a: {  	s19 =	simm.s32 $0xE300;
	s1 =	simm.s32 @p0 $0x80;
	[sflag:s17] =	ssyncadd.s32 $0xFFFFE000  }
0x7b: {  	[tilespmem:s19], [sflag:$0x1] =	stream.indirect.gather [hbm4b:s3+s18], $0x40, s23, s18, $0xb8;
	[tilespmem:$0x12300] =	vst v63  }
0x7c: {  	s20 =	simm.s32 @p0 $0x2;
	s18 =	simm.s32 $0x6380;
	s19 =	simm.s32 @p0 $0xE300  }
0x7d: {  	[tilespmem:s19], [sflag:$0x1] =	stream.indirect.gather @p0 [hbm4b:s3+s1], $0x40, s18, s1, $0xb8;
	[tilespmem:$0x12300] =	vst v63  }
0x7e: {  	_ =	swait.ge @p0 [sflag:s20], $0x2000  }
0x7f: {  	[sflag:s20] =	ssyncset.done @p0 $0x0  }
0x80: {  	s1 =	simm.s32 @p0 $0x0;
	s19 =	simm.s32 @p0 $0x10300;
	[sflag:s20] =	ssyncadd.s32 @p0 $0xFFFFE000  }
0x81: {  	[hbm4b:s16+s1] =	stream.linear.scatter @p0 [tilespmem:s19], [sflag:$0x3], $0x2000, $0x38;
	[tilespmem:$0x12300] =	vst v63  }
0x82: {  	s21 =	simm.s32 @!p0 $0x1;
	s1 =	simm.s32 @!p0 $0x80;
	s19 =	simm.s32 @!p0 $0x10300  }
0x83: {  	[tilespmem:s19], [sflag:$0x2] =	stream.indirect.gather @!p0 [hbm4b:s3+s1], $0x40, s18, s1, $0xb8;
	[tilespmem:$0x12300] =	vst v63  }
0x84: {  	s20 =	simm.s32 @!p0 $0x4;
	_ =	swait.ge @!p0 [sflag:s21], $0x2000  }
0x85: {  	s31 =	simm.s32 $0x1;
	s20 =	simm.s32 @p0 $0x3;
	[sflag:s21] =	ssyncset.done @!p0 $0x0  }
0x86: {  	s18 =	simm.s32 @!p0 $0xE300;
	[sflag:s21] =	ssyncadd.s32 @!p0 $0xFFFFE000;
	s21 =	simm.s32 @!p0 $0x0  }
0x87: {  	[hbm4b:s16+s21] =	stream.linear.scatter @!p0 [tilespmem:s18], [sflag:$0x4], $0x2000, $0x38;
	[tilespmem:$0x12300] =	vst v63  }
0x88: {  	s19 =	simm.s32 $0x2;
	s1 =	sand.u32 $0x1, s31;
	s18 =	simm.s32 $0x6400  }
0x89: {  	p0 =	seq.s32 s1, $0x1;
	s1 =	sadd.s32 $0x400, s16;
	_ =	swait.ge [sflag:s20], $0x2000  }
.LBB2_6:
0x8a: {  	s21 =	simm.s32 @p0 $0x80;
	s22 =	simm.s32 @p0 $0xE300  }
0x8b: {  	[sflag:s20] =	ssyncset.done $0x0;
	s28 =	smov.u32 s19;
	s29 =	smov.u32 s18  }
0x8c: {  	s19 =	sadd.s32 $0x1, s19;
	s31 =	simm.s32 @p0 $0x2;
	[sflag:s20] =	ssyncadd.s32 $0xFFFFE000  }
0x8d: {  	[tilespmem:s22], [sflag:$0x1] =	stream.indirect.gather @p0 [hbm4b:s3+s21], $0x40, s18, s21, $0xb8;
	[tilespmem:$0x12300] =	vst v63  }
0x8e: {  	p1 =	sne.s32 s19, $0x3F;
	_ =	swait.ge @p0 [sflag:s31], $0x2000  }
0x8f: {  	s18 =	sadd.s32 $0x80, s18;
	[sflag:s31] =	ssyncset.done @p0 $0x0  }
0x90: {  	s20 =	simm.s32 @p0 $0x0;
	s21 =	simm.s32 @p0 $0x10300;
	[sflag:s31] =	ssyncadd.s32 @p0 $0xFFFFE000  }
0x91: {  	[hbm4b:s1+s20] =	stream.linear.scatter @p0 [tilespmem:s21], [sflag:$0x3], $0x2000, $0x38;
	[tilespmem:$0x12300] =	vst v63  }
0x92: {  	s22 =	simm.s32 @!p0 $0x1;
	s20 =	simm.s32 @!p0 $0x80;
	s21 =	simm.s32 @!p0 $0x10300  }
0x93: {  	[tilespmem:s21], [sflag:$0x2] =	stream.indirect.gather @!p0 [hbm4b:s3+s20], $0x40, s29, s20, $0xb8;
	[tilespmem:$0x12300] =	vst v63  }
.Ltmp2:
0x94: {  	s21 =	sand.u32 $0x1, s28;
	_ =	swait.ge @!p0 [sflag:s22], $0x2000;
	(pc) =	sbr.rel @p1 .LBB2_6-.Ltmp2, $4  }
0x95: {  	s28 =	simm.s32 @!p0 $0xE300;
	s20 =	simm.s32 @!p0 $0x4;
	[sflag:s22] =	ssyncset.done @!p0 $0x0  }
0x96: {  	s20 =	simm.s32 @p0 $0x3;
	[sflag:s22] =	ssyncadd.s32 @!p0 $0xFFFFE000;
	s22 =	simm.s32 @!p0 $0x0  }
0x97: {  	[hbm4b:s1+s22] =	stream.linear.scatter @!p0 [tilespmem:s28], [sflag:$0x4], $0x2000, $0x38;
	[tilespmem:$0x12300] =	vst v63  }
0x98: {  	p0 =	seq.s32 s21, $0x1;
	s1 =	sadd.s32 $0x400, s1;
	_ =	swait.ge [sflag:s20], $0x2000  }
0x99: {  	s19 =	simm.s32 @p0 $0x80;
	[sflag:s20] =	ssyncset.done $0x0  }
0x9a: {  	s21 =	simm.s32 @p0 $0xE300;
	s22 =	simm.s32 @p0 $0x2;
	[sflag:s20] =	ssyncadd.s32 $0xFFFFE000  }
0x9b: {  	[tilespmem:s21], [sflag:$0x1] =	stream.indirect.gather @p0 [hbm4b:s3+s19], $0x40, s18, s19, $0xb8;
	[tilespmem:$0x12300] =	vst v63  }
0x9c: {  	_ =	swait.ge @p0 [sflag:s22], $0x2000  }
0x9d: {  	[sflag:s22] =	ssyncset.done @p0 $0x0  }
0x9e: {  	s20 =	simm.s32 @p0 $0x10300;
	s19 =	simm.s32 @p0 $0x0;
	[sflag:s22] =	ssyncadd.s32 @p0 $0xFFFFE000  }
0x9f: {  	[hbm4b:s1+s19] =	stream.linear.scatter @p0 [tilespmem:s20], [sflag:$0x3], $0x2000, $0x38;
	[tilespmem:$0x12300] =	vst v63  }
0xa0: {  	s21 =	simm.s32 @!p0 $0x1;
	s19 =	simm.s32 @!p0 $0x80;
	s20 =	simm.s32 @!p0 $0x10300  }
0xa1: {  	[tilespmem:s20], [sflag:$0x2] =	stream.indirect.gather @!p0 [hbm4b:s3+s19], $0x40, s18, s19, $0xb8;
	[tilespmem:$0x12300] =	vst v63  }
0xa2: {  	_ =	swait.ge @!p0 [sflag:s21], $0x2000  }
0xa3: {  	s18 =	simm.s32 @!p0 $0xE300;
	s19 =	simm.s32 @!p0 $0x4;
	[sflag:s21] =	ssyncset.done @!p0 $0x0  }
0xa4: {  	s20 =	simm.s32 @!p0 $0x0;
	s19 =	simm.s32 @p0 $0x3;
	[sflag:s21] =	ssyncadd.s32 @!p0 $0xFFFFE000  }
0xa5: {  	[hbm4b:s1+s20] =	stream.linear.scatter @!p0 [tilespmem:s18], [sflag:$0x4], $0x2000, $0x38;
	[tilespmem:$0x12300] =	vst v63  }
0xa6: {  	_ =	swait.ge [sflag:s19], $0x2000  }
0xa7: {  	[sflag:s19] =	ssyncset.done $0x0  }
0xa8: {  	[sflag:s19] =	ssyncadd.s32 $0xFFFFE000  }
0xa9: {  	s0 =	sadd.s32 $0x1, s0;
	_ =	swait.ge [sflag:s30], $0x2000  }
0xaa: {  	p0 =	sne.s32 s0, s14;
	[sflag:s30] =	ssyncset.done $0x0  }
.Ltmp3:
0xab: {  	s31 =	simm.s32 $0x10300;
	[sflag:s30] =	ssyncadd.s32 $0xFFFFE000;
	(pc) =	sbr.rel @p0 .LBB2_1-.Ltmp3, $4  }
0xac: {  	[hbm4b:s15+s2] =	stream.linear.scatter [tilespmem:s31], [sflag:$0x3], $0x2000, $0x38;
	[tilespmem:$0x12300] =	vst v63  }
0xad: {  	_ =	swait.ge [sflag:s17], $0x2000  }
0xae: {  	[sflag:s17] =	ssyncset.done $0x0  }
0xaf: {  	[sflag:s17] =	ssyncadd.s32 $0xFFFFE000  }
0xb0: {  	_ =	sfence.sel $0x180000  }
0xb1: {  	[bflag:$0x0] =	sbarrier.arrive $0xFFFF  }
0xb2: {  	_ =	strace $0x90000047  }
0xb3: {  	s0 =	stileid.u32;
	[bflag:$0x2] =	sbarrier.arrive $0xFFFF  }
0xb4: {  	p0 =	sne.s32 s0, $0x0;
	s0 =	rddreg [dreg:$0x3]  }
0xb5: {  	s0 =	sadd.s32 @!p0 $0x100000, s0  }
0xb6: {  	[sflag:s0] =	ssyncadd.tile.s32 @!p0 $0x1;
	_ =	shalt  }
.Lfunc_end2:
_tile_overlayer_lowered:
.L_overlay_start_2:
0xb7: {  	(tag) =	ssettag $0x2  }
0xb8: {  	s0 =	rddreg [dreg:$0x0];
	s2 =	stileid.u32  }
0xb9: {  	s1 =	rddreg [dreg:$0x1];
	p0 =	sne.s32 s2, $0x0  }
0xba: {  	s3 =	rddreg [dreg:$0x2];
	[bflag:$0x3] =	sbarrier.arrive $0xFFFF;
	s2 =	simm.s32 @!p0 $0x1C03  }
0xbb: {  	[timem:s3], [sflag:s2] =	dma.local @!p0 [hbm:s0], s1  }
0xbc: {  	s0 =	simm.s32 @!p0 $0x3  }
0xbd: {  	_ =	swait.ge @!p0 [sflag:s0], s1  }
0xbe: {  	s1 =	ssub.s32 @!p0 $0x0, s1;
	[sflag:s0] =	ssyncset.done @!p0 $0x0  }
0xbf: {  	[sflag:s0] =	ssyncadd.s32 @!p0 s1  }
0xc0: {  	[bflag:$0x3] =	sbarrier.arrive $0xFFFF  }
0xc1: {  	_ =	shalt  }

</sc_bundles>
